<compile_context>
chip_gen: v7x
topology: tpu7x:2x2x1
jax: 0.10.2.dev20260603
libtpu: 0.0.44.dev20260713+nightly
codegen_flags: <defaults>
</compile_context>

<pallas_src>
import functools

import jax
import jax.numpy as jnp
from jax import lax
from jax.experimental import pallas as pl
from jax.experimental.pallas import tpu as pltpu
from jax.experimental.pallas import tpu_sc as plsc

NC = 2
NS = 16
NW = NC * NS

L = 128
TOTAL_N = 327680
ROWS = TOTAL_N // L
ROWS_PER_W = ROWS // NW

R0 = 4
R1 = 5

D0 = 64
D1 = 32


def _pipe_feature(tab, vals, out, idx_v, rows_v, gsems, wsems, r, d, base):
  nblk = ROWS_PER_W // r
  npair = nblk // 2

  def stage(b, s):
    off = base + b * r
    pltpu.sync_copy(vals.at[pl.ds(off, r)], idx_v.at[s])
    for j in range(r):
      pltpu.async_copy(
          tab.at[idx_v.at[s, j]], rows_v.at[s, pl.ds(j * L, L)], gsems[s])

  def waitg(s):
    pltpu.make_async_copy(
        out.at[pl.ds(base * L, r * L)], rows_v.at[s], gsems[s]).wait()

  def waitw(s):
    pltpu.make_async_copy(
        out.at[pl.ds(base * L, r * L)], rows_v.at[s], wsems[s]).wait()

  def wb(b, s):
    off = base + b * r
    pltpu.async_copy(rows_v.at[s], out.at[pl.ds(off * L, r * L)], wsems[s])

  stage(0, 0)

  def pair(k, carry):
    b0 = 2 * k

    @pl.when(k > 0)
    def _():
      waitw(1)

    stage(b0 + 1, 1)
    waitg(0)
    wb(b0, 0)

    @pl.when(k < npair - 1)
    def _():
      waitw(0)
      stage(b0 + 2, 0)

    waitg(1)
    wb(b0 + 1, 1)
    return carry

  lax.fori_loop(0, npair, pair, 0, unroll=False)
  waitw(0)
  waitw(1)


def _emb_body(t0, t1, v0, v1, o0, o1, idx0, rows0, idx1, rows1,
              gsem0, gsem1, wsem0, wsem1):
  wid = lax.axis_index("s") * NC + lax.axis_index("c")
  base = wid * ROWS_PER_W
  gsems = (gsem0, gsem1)
  wsems = (wsem0, wsem1)
  _pipe_feature(t0, v0, o0, idx0, rows0, gsems, wsems, R0, D0, base)
  _pipe_feature(t1, v1, o1, idx1, rows1, gsems, wsems, R1, D1, base)


@functools.cache
def _build():
  mesh = plsc.VectorSubcoreMesh(
      core_axis_name="c", subcore_axis_name="s",
      num_cores=NC, num_subcores=NS)
  return pl.kernel(
      _emb_body,
      out_type=(
          jax.ShapeDtypeStruct((TOTAL_N, D0), jnp.float32),
          jax.ShapeDtypeStruct((TOTAL_N, D1), jnp.float32),
      ),
      mesh=mesh,
      scratch_types=[
          pltpu.VMEM((2, R0, L), jnp.int32),
          pltpu.VMEM((2, R0 * L, D0), jnp.float32),
          pltpu.VMEM((2, R1, L), jnp.int32),
          pltpu.VMEM((2, R1 * L, D1), jnp.float32),
          pltpu.SemaphoreType.DMA,
          pltpu.SemaphoreType.DMA,
          pltpu.SemaphoreType.DMA,
          pltpu.SemaphoreType.DMA,
      ],
      compiler_params=pltpu.CompilerParams(use_tc_tiling_on_sc=False),
  )


def kernel(table_t0, table_t1, values_f0, values_f1, lengths_f0, lengths_f1):
  v0 = values_f0.reshape(ROWS, L)
  v1 = values_f1.reshape(ROWS, L)
  out0, out1 = _build()(table_t0, table_t1, v0, v1)
  return (out0, out1)

# --- scband reference (transcript-rebuilt; emitter-appended) ---
"""Pipeline reference for scband-musaembedding-collection-67680094650964 (READ-ONLY COPY).

The authoritative reference and input builder live on the scoring server;
editing this copy changes nothing except your own understanding.
"""

import jax, jax.numpy as jnp
import numpy as np

VOCAB_T0 = 1000000
VOCAB_T1 = 100000
DIM_T0 = 64
DIM_T1 = 32
BATCH = 16384
TOTAL = 327680

def setup_inputs(seed: int = 0) -> dict:
    key = jax.random.key(seed)
    k0, k1, k2, k3, k4, k5 = jax.random.split(key, 6)
    values_f0 = jax.random.randint(k0, (TOTAL,), 0, VOCAB_T0, dtype=jnp.int64 if jax.config.jax_enable_x64 else jnp.int32).astype(jnp.int32)
    values_f1 = jax.random.randint(k1, (TOTAL,), 0, VOCAB_T1, dtype=jnp.int32)
    lengths_f0 = jax.random.randint(k2, (BATCH,), 0, 40, dtype=jnp.int32)
    lengths_f1 = jax.random.randint(k3, (BATCH,), 0, 40, dtype=jnp.int32)
    # learned embedding tables (nn.Embedding weights)
    table_t0 = jax.random.normal(k4, (VOCAB_T0, DIM_T0), dtype=jnp.float32) * 0.02
    table_t1 = jax.random.normal(k5, (VOCAB_T1, DIM_T1), dtype=jnp.float32) * 0.02
    return {
        "table_t0": table_t0,
        "table_t1": table_t1,
        "values_f0": values_f0,
        "values_f1": values_f1,
        "lengths_f0": lengths_f0,
        "lengths_f1": lengths_f1,
    }

def reference(table_t0, table_t1, values_f0, values_f1, lengths_f0, lengths_f1):
    # MUSAEmbeddingCollection.forward: per-feature embedding lookup on the
    # flat jagged values; lengths/offsets are passed through unchanged, so the
    # math is two row gathers from the tables.
    emb_f0 = jnp.take(table_t0, values_f0, axis=0)  # [TOTAL, 64]
    emb_f1 = jnp.take(table_t1, values_f1, axis=0)  # [TOTAL, 32]
    return (emb_f0, emb_f1)

if __name__ == "__main__":
    import jax
    _d = setup_inputs()
    print(jax.jit(kernel)(*tuple(_d.values())))

</pallas_src>

<mosaic_0001>
#map = affine_map<(d0, d1) -> (0, 0)>
module attributes {stable_mosaic.version = 14 : i64} {
  func.func @_emb_body(%arg0: i32, %arg1: i32, %arg2: memref<1000000x64xf32, #tpu.memory_space<hbm>>, %arg3: memref<100000x32xf32, #tpu.memory_space<hbm>>, %arg4: memref<2560x128xi32, #tpu.memory_space<hbm>>, %arg5: memref<2560x128xi32, #tpu.memory_space<hbm>>, %arg6: memref<327680x64xf32, #tpu.memory_space<hbm>>, %arg7: memref<327680x32xf32, #tpu.memory_space<hbm>>, %arg8: memref<2x4x128xi32, #tpu.memory_space<vmem>>, %arg9: memref<2x512x64xf32, #tpu.memory_space<vmem>>, %arg10: memref<2x5x128xi32, #tpu.memory_space<vmem>>, %arg11: memref<2x640x32xf32, #tpu.memory_space<vmem>>, %arg12: memref<!tpu.dma_semaphore, #tpu.memory_space<semaphore_mem>>, %arg13: memref<!tpu.dma_semaphore, #tpu.memory_space<semaphore_mem>>, %arg14: memref<!tpu.dma_semaphore, #tpu.memory_space<semaphore_mem>>, %arg15: memref<!tpu.dma_semaphore, #tpu.memory_space<semaphore_mem>>) attributes {dimension_semantics = [#tpu.dimension_semantics<core_parallel>, #tpu.dimension_semantics<subcore_parallel>], iteration_bounds = array<i64: 2, 16>, scalar_prefetch = 0 : i64, scratch_operands = 8 : i64, tpu.core_type = #tpu.core_type<sc_vector_subcore>, window_params = [{transform_indices = #map}, {transform_indices = #map}, {transform_indices = #map}, {transform_indices = #map}, {transform_indices = #map}, {transform_indices = #map}]} {
    %mul3A = arith.constant 2 : i32
    %mul3A_0 = arith.muli %arg1, %mul3A : i32
    %add3A = arith.addi %mul3A_0, %arg0 : i32
    %mul3A_1 = arith.constant 80 : i32
    %mul3A_2 = arith.muli %add3A, %mul3A_1 : i32
    %add3A_3 = arith.constant 0 : i32
    %add3A_4 = arith.addi %mul3A_2, %add3A_3 : i32
    %run_scoped3A = arith.constant 0 : i32
    "tpu.region"() ({
      %run_scoped3A_194 = tpu.sem_alloc : memref<!tpu.dma_semaphore, #tpu.memory_space<semaphore_mem>>
      %dma_start3A_195 = arith.constant 0 : i32
      %dma_start3A_196 = arith.constant 0 : i32
      %dma_start3A_197 = tpu.memref_slice %arg8[%run_scoped3A, %dma_start3A_195, %dma_start3A_196] : memref<2x4x128xi32, #tpu.memory_space<vmem>> -> memref<1x4x128xi32, #tpu.memory_space<vmem>>
      %dma_start3A_198 = tpu.memref_squeeze %dma_start3A_197 : memref<1x4x128xi32, #tpu.memory_space<vmem>> -> memref<4x128xi32, #tpu.memory_space<vmem>>
      %dma_start3A_199 = arith.constant 0 : i32
      %dma_start3A_200 = tpu.memref_slice %arg4[%add3A_4, %dma_start3A_199] : memref<2560x128xi32, #tpu.memory_space<hbm>> -> memref<4x128xi32, #tpu.memory_space<hbm>>
      %dma_start3A_201 = arith.constant 0 : i32
      %dma_start3A_202 = arith.constant 0 : i32
      %dma_start3A_203 = tpu.memref_slice %arg8[%run_scoped3A, %dma_start3A_201, %dma_start3A_202] : memref<2x4x128xi32, #tpu.memory_space<vmem>> -> memref<1x4x128xi32, #tpu.memory_space<vmem>>
      %dma_start3A_204 = tpu.memref_squeeze %dma_start3A_203 : memref<1x4x128xi32, #tpu.memory_space<vmem>> -> memref<4x128xi32, #tpu.memory_space<vmem>>
      %dma_start3A_205 = arith.constant 0 : i32
      %dma_start3A_206 = tpu.memref_slice %arg4[%add3A_4, %dma_start3A_205] : memref<2560x128xi32, #tpu.memory_space<hbm>> -> memref<4x128xi32, #tpu.memory_space<hbm>>
      tpu.enqueue_dma source(%dma_start3A_206 : memref<4x128xi32, #tpu.memory_space<hbm>>) target(%dma_start3A_204 : memref<4x128xi32, #tpu.memory_space<vmem>>) target_semaphore(%run_scoped3A_194 : memref<!tpu.dma_semaphore, #tpu.memory_space<semaphore_mem>>)
      %dma_wait3A_207 = arith.constant 0 : i32
      %dma_wait3A_208 = arith.constant 0 : i32
      %dma_wait3A_209 = tpu.memref_slice %arg8[%run_scoped3A, %dma_wait3A_207, %dma_wait3A_208] : memref<2x4x128xi32, #tpu.memory_space<vmem>> -> memref<1x4x128xi32, #tpu.memory_space<vmem>>
      %dma_wait3A_210 = tpu.memref_squeeze %dma_wait3A_209 : memref<1x4x128xi32, #tpu.memory_space<vmem>> -> memref<4x128xi32, #tpu.memory_space<vmem>>
      %dma_wait3A_211 = arith.constant 0 : i32
      %dma_wait3A_212 = tpu.memref_slice %arg4[%add3A_4, %dma_wait3A_211] : memref<2560x128xi32, #tpu.memory_space<hbm>> -> memref<4x128xi32, #tpu.memory_space<hbm>>
      %dma_wait3A_213 = arith.constant 0 : i32
      %dma_wait3A_214 = arith.constant 0 : i32
      %dma_wait3A_215 = tpu.memref_slice %arg8[%run_scoped3A, %dma_wait3A_213, %dma_wait3A_214] : memref<2x4x128xi32, #tpu.memory_space<vmem>> -> memref<1x4x128xi32, #tpu.memory_space<vmem>>
      %dma_wait3A_216 = tpu.memref_squeeze %dma_wait3A_215 : memref<1x4x128xi32, #tpu.memory_space<vmem>> -> memref<4x128xi32, #tpu.memory_space<vmem>>
      %dma_wait3A_217 = arith.constant 0 : i32
      %dma_wait3A_218 = tpu.memref_slice %arg4[%add3A_4, %dma_wait3A_217] : memref<2560x128xi32, #tpu.memory_space<hbm>> -> memref<4x128xi32, #tpu.memory_space<hbm>>
      tpu.wait_dma2 semaphore(%run_scoped3A_194 : memref<!tpu.dma_semaphore, #tpu.memory_space<semaphore_mem>>) src(%dma_wait3A_218 : memref<4x128xi32, #tpu.memory_space<hbm>>) dst(%dma_wait3A_216 : memref<4x128xi32, #tpu.memory_space<vmem>>)
      tpu.yield
    }) : () -> ()
    %dma_start3A = arith.constant 0 : i32
    %dma_start3A_5 = arith.constant 0 : i32
    %dma_start3A_6 = arith.constant 0 : i32
    %dma_start3A_7 = arith.constant 0 : i32
    %dma_start3A_8 = arith.constant 0 : i32
    %dma_start3A_9 = tpu.memref_slice %arg9[%dma_start3A_6, %dma_start3A_7, %dma_start3A_8] : memref<2x512x64xf32, #tpu.memory_space<vmem>> -> memref<1x128x64xf32, #tpu.memory_space<vmem>>
    %dma_start3A_10 = tpu.memref_squeeze %dma_start3A_9 : memref<1x128x64xf32, #tpu.memory_space<vmem>> -> memref<128x64xf32, #tpu.memory_space<vmem>>
    %dma_start3A_11 = arith.constant 0 : i32
    %dma_start3A_12 = tpu.memref_slice %arg8[%dma_start3A, %dma_start3A_5, %dma_start3A_11] : memref<2x4x128xi32, #tpu.memory_space<vmem>> -> memref<1x1x128xi32, #tpu.memory_space<vmem>>
    %dma_start3A_13 = tpu.memref_squeeze %dma_start3A_12 : memref<1x1x128xi32, #tpu.memory_space<vmem>> -> memref<128xi32, #tpu.memory_space<vmem>>
    %dma_start3A_14 = arith.constant 0 : i32
    %dma_start3A_15 = arith.constant 0 : i32
    %dma_start3A_16 = tpu.memref_slice %arg2[%dma_start3A_14, %dma_start3A_15] : memref<1000000x64xf32, #tpu.memory_space<hbm>> -> memref<1000000x64xf32, #tpu.memory_space<hbm>>
    tpu.enqueue_indirect_dma source(%dma_start3A_16 : memref<1000000x64xf32, #tpu.memory_space<hbm>>) target(%dma_start3A_10 : memref<128x64xf32, #tpu.memory_space<vmem>>) offsets(%dma_start3A_13 : memref<128xi32, #tpu.memory_space<vmem>>) semaphore(%arg12 : memref<!tpu.dma_semaphore, #tpu.memory_space<semaphore_mem>>)
    %dma_start3A_17 = arith.constant 0 : i32
    %dma_start3A_18 = arith.constant 1 : i32
    %dma_start3A_19 = arith.constant 0 : i32
    %dma_start3A_20 = arith.constant 128 : i32
    %dma_start3A_21 = arith.constant 0 : i32
    %dma_start3A_22 = tpu.memref_slice %arg9[%dma_start3A_19, %dma_start3A_20, %dma_start3A_21] : memref<2x512x64xf32, #tpu.memory_space<vmem>> -> memref<1x128x64xf32, #tpu.memory_space<vmem>>
    %dma_start3A_23 = tpu.memref_squeeze %dma_start3A_22 : memref<1x128x64xf32, #tpu.memory_space<vmem>> -> memref<128x64xf32, #tpu.memory_space<vmem>>
    %dma_start3A_24 = arith.constant 0 : i32
    %dma_start3A_25 = tpu.memref_slice %arg8[%dma_start3A_17, %dma_start3A_18, %dma_start3A_24] : memref<2x4x128xi32, #tpu.memory_space<vmem>> -> memref<1x1x128xi32, #tpu.memory_space<vmem>>
    %dma_start3A_26 = tpu.memref_squeeze %dma_start3A_25 : memref<1x1x128xi32, #tpu.memory_space<vmem>> -> memref<128xi32, #tpu.memory_space<vmem>>
    %dma_start3A_27 = arith.constant 0 : i32
    %dma_start3A_28 = arith.constant 0 : i32
    %dma_start3A_29 = tpu.memref_slice %arg2[%dma_start3A_27, %dma_start3A_28] : memref<1000000x64xf32, #tpu.memory_space<hbm>> -> memref<1000000x64xf32, #tpu.memory_space<hbm>>
    tpu.enqueue_indirect_dma source(%dma_start3A_29 : memref<1000000x64xf32, #tpu.memory_space<hbm>>) target(%dma_start3A_23 : memref<128x64xf32, #tpu.memory_space<vmem>>) offsets(%dma_start3A_26 : memref<128xi32, #tpu.memory_space<vmem>>) semaphore(%arg12 : memref<!tpu.dma_semaphore, #tpu.memory_space<semaphore_mem>>)
    %dma_start3A_30 = arith.constant 0 : i32
    %dma_start3A_31 = arith.constant 2 : i32
    %dma_start3A_32 = arith.constant 0 : i32
    %dma_start3A_33 = arith.constant 256 : i32
    %dma_start3A_34 = arith.constant 0 : i32
    %dma_start3A_35 = tpu.memref_slice %arg9[%dma_start3A_32, %dma_start3A_33, %dma_start3A_34] : memref<2x512x64xf32, #tpu.memory_space<vmem>> -> memref<1x128x64xf32, #tpu.memory_space<vmem>>
    %dma_start3A_36 = tpu.memref_squeeze %dma_start3A_35 : memref<1x128x64xf32, #tpu.memory_space<vmem>> -> memref<128x64xf32, #tpu.memory_space<vmem>>
    %dma_start3A_37 = arith.constant 0 : i32
    %dma_start3A_38 = tpu.memref_slice %arg8[%dma_start3A_30, %dma_start3A_31, %dma_start3A_37] : memref<2x4x128xi32, #tpu.memory_space<vmem>> -> memref<1x1x128xi32, #tpu.memory_space<vmem>>
    %dma_start3A_39 = tpu.memref_squeeze %dma_start3A_38 : memref<1x1x128xi32, #tpu.memory_space<vmem>> -> memref<128xi32, #tpu.memory_space<vmem>>
    %dma_start3A_40 = arith.constant 0 : i32
    %dma_start3A_41 = arith.constant 0 : i32
    %dma_start3A_42 = tpu.memref_slice %arg2[%dma_start3A_40, %dma_start3A_41] : memref<1000000x64xf32, #tpu.memory_space<hbm>> -> memref<1000000x64xf32, #tpu.memory_space<hbm>>
    tpu.enqueue_indirect_dma source(%dma_start3A_42 : memref<1000000x64xf32, #tpu.memory_space<hbm>>) target(%dma_start3A_36 : memref<128x64xf32, #tpu.memory_space<vmem>>) offsets(%dma_start3A_39 : memref<128xi32, #tpu.memory_space<vmem>>) semaphore(%arg12 : memref<!tpu.dma_semaphore, #tpu.memory_space<semaphore_mem>>)
    %dma_start3A_43 = arith.constant 0 : i32
    %dma_start3A_44 = arith.constant 3 : i32
    %dma_start3A_45 = arith.constant 0 : i32
    %dma_start3A_46 = arith.constant 384 : i32
    %dma_start3A_47 = arith.constant 0 : i32
    %dma_start3A_48 = tpu.memref_slice %arg9[%dma_start3A_45, %dma_start3A_46, %dma_start3A_47] : memref<2x512x64xf32, #tpu.memory_space<vmem>> -> memref<1x128x64xf32, #tpu.memory_space<vmem>>
    %dma_start3A_49 = tpu.memref_squeeze %dma_start3A_48 : memref<1x128x64xf32, #tpu.memory_space<vmem>> -> memref<128x64xf32, #tpu.memory_space<vmem>>
    %dma_start3A_50 = arith.constant 0 : i32
    %dma_start3A_51 = tpu.memref_slice %arg8[%dma_start3A_43, %dma_start3A_44, %dma_start3A_50] : memref<2x4x128xi32, #tpu.memory_space<vmem>> -> memref<1x1x128xi32, #tpu.memory_space<vmem>>
    %dma_start3A_52 = tpu.memref_squeeze %dma_start3A_51 : memref<1x1x128xi32, #tpu.memory_space<vmem>> -> memref<128xi32, #tpu.memory_space<vmem>>
    %dma_start3A_53 = arith.constant 0 : i32
    %dma_start3A_54 = arith.constant 0 : i32
    %dma_start3A_55 = tpu.memref_slice %arg2[%dma_start3A_53, %dma_start3A_54] : memref<1000000x64xf32, #tpu.memory_space<hbm>> -> memref<1000000x64xf32, #tpu.memory_space<hbm>>
    tpu.enqueue_indirect_dma source(%dma_start3A_55 : memref<1000000x64xf32, #tpu.memory_space<hbm>>) target(%dma_start3A_49 : memref<128x64xf32, #tpu.memory_space<vmem>>) offsets(%dma_start3A_52 : memref<128xi32, #tpu.memory_space<vmem>>) semaphore(%arg12 : memref<!tpu.dma_semaphore, #tpu.memory_space<semaphore_mem>>)
    %scan3A = arith.constant 0 : i32
    %scan3A_56 = arith.constant 0 : i32
    %scan3A_57 = arith.constant 10 : i32
    %scan3A_58 = arith.addi %scan3A_56, %scan3A_57 : i32
    %scan3A_59 = arith.constant 1 : i32
    scf.for %scan3A_194 = %scan3A_56 to %scan3A_58 step %scan3A_59  : i32 {
      %mul3A_195 = arith.constant 2 : i32
      %mul3A_196 = arith.muli %mul3A_195, %scan3A_194 : i32
      %gt3A = arith.constant 0 : i32
      %gt3A_197 = arith.cmpi sgt, %scan3A_194, %gt3A : i32
      %convert_element_type3A = arith.extui %gt3A_197 : i1 to i32
      %cond3A = arith.constant 0 : i32
      %cond3A_198 = arith.cmpi ne, %convert_element_type3A, %cond3A : i32
      scf.if %cond3A_198 {
        %mul3A_329 = arith.constant 128 : i32
        %mul3A_330 = arith.muli %mul3A_2, %mul3A_329 : i32
        %dma_wait3A_331 = arith.constant 1 : i32
        %dma_wait3A_332 = arith.constant 0 : i32
        %dma_wait3A_333 = arith.constant 0 : i32
        %dma_wait3A_334 = tpu.memref_slice %arg9[%dma_wait3A_331, %dma_wait3A_332, %dma_wait3A_333] : memref<2x512x64xf32, #tpu.memory_space<vmem>> -> memref<1x512x64xf32, #tpu.memory_space<vmem>>
        %dma_wait3A_335 = tpu.memref_squeeze %dma_wait3A_334 : memref<1x512x64xf32, #tpu.memory_space<vmem>> -> memref<512x64xf32, #tpu.memory_space<vmem>>
        %dma_wait3A_336 = arith.constant 0 : i32
        %dma_wait3A_337 = tpu.memref_slice %arg6[%mul3A_330, %dma_wait3A_336] : memref<327680x64xf32, #tpu.memory_space<hbm>> -> memref<512x64xf32, #tpu.memory_space<hbm>>
        %dma_wait3A_338 = arith.constant 0 : i32
        %dma_wait3A_339 = arith.constant 0 : i32
        %dma_wait3A_340 = tpu.memref_slice %arg9[%dma_wait3A_331, %dma_wait3A_338, %dma_wait3A_339] : memref<2x512x64xf32, #tpu.memory_space<vmem>> -> memref<1x512x64xf32, #tpu.memory_space<vmem>>
        %dma_wait3A_341 = tpu.memref_squeeze %dma_wait3A_340 : memref<1x512x64xf32, #tpu.memory_space<vmem>> -> memref<512x64xf32, #tpu.memory_space<vmem>>
        %dma_wait3A_342 = arith.constant 0 : i32
        %dma_wait3A_343 = tpu.memref_slice %arg6[%mul3A_330, %dma_wait3A_342] : memref<327680x64xf32, #tpu.memory_space<hbm>> -> memref<512x64xf32, #tpu.memory_space<hbm>>
        tpu.wait_dma2 semaphore(%arg15 : memref<!tpu.dma_semaphore, #tpu.memory_space<semaphore_mem>>) src(%dma_wait3A_343 : memref<512x64xf32, #tpu.memory_space<hbm>>) dst(%dma_wait3A_341 : memref<512x64xf32, #tpu.memory_space<vmem>>)
      } else {
      }
      %add3A_199 = arith.constant 1 : i32
      %add3A_200 = arith.addi %mul3A_196, %add3A_199 : i32
      %mul3A_201 = arith.constant 4 : i32
      %mul3A_202 = arith.muli %add3A_200, %mul3A_201 : i32
      %add3A_203 = arith.addi %mul3A_2, %mul3A_202 : i32
      %run_scoped3A_204 = arith.constant 1 : i32
      "tpu.region"() ({
        %run_scoped3A_329 = tpu.sem_alloc : memref<!tpu.dma_semaphore, #tpu.memory_space<semaphore_mem>>
        %dma_start3A_330 = arith.constant 0 : i32
        %dma_start3A_331 = arith.constant 0 : i32
        %dma_start3A_332 = tpu.memref_slice %arg8[%run_scoped3A_204, %dma_start3A_330, %dma_start3A_331] : memref<2x4x128xi32, #tpu.memory_space<vmem>> -> memref<1x4x128xi32, #tpu.memory_space<vmem>>
        %dma_start3A_333 = tpu.memref_squeeze %dma_start3A_332 : memref<1x4x128xi32, #tpu.memory_space<vmem>> -> memref<4x128xi32, #tpu.memory_space<vmem>>
        %dma_start3A_334 = arith.constant 0 : i32
        %dma_start3A_335 = tpu.memref_slice %arg4[%add3A_203, %dma_start3A_334] : memref<2560x128xi32, #tpu.memory_space<hbm>> -> memref<4x128xi32, #tpu.memory_space<hbm>>
        %dma_start3A_336 = arith.constant 0 : i32
        %dma_start3A_337 = arith.constant 0 : i32
        %dma_start3A_338 = tpu.memref_slice %arg8[%run_scoped3A_204, %dma_start3A_336, %dma_start3A_337] : memref<2x4x128xi32, #tpu.memory_space<vmem>> -> memref<1x4x128xi32, #tpu.memory_space<vmem>>
        %dma_start3A_339 = tpu.memref_squeeze %dma_start3A_338 : memref<1x4x128xi32, #tpu.memory_space<vmem>> -> memref<4x128xi32, #tpu.memory_space<vmem>>
        %dma_start3A_340 = arith.constant 0 : i32
        %dma_start3A_341 = tpu.memref_slice %arg4[%add3A_203, %dma_start3A_340] : memref<2560x128xi32, #tpu.memory_space<hbm>> -> memref<4x128xi32, #tpu.memory_space<hbm>>
        tpu.enqueue_dma source(%dma_start3A_341 : memref<4x128xi32, #tpu.memory_space<hbm>>) target(%dma_start3A_339 : memref<4x128xi32, #tpu.memory_space<vmem>>) target_semaphore(%run_scoped3A_329 : memref<!tpu.dma_semaphore, #tpu.memory_space<semaphore_mem>>)
        %dma_wait3A_342 = arith.constant 0 : i32
        %dma_wait3A_343 = arith.constant 0 : i32
        %dma_wait3A_344 = tpu.memref_slice %arg8[%run_scoped3A_204, %dma_wait3A_342, %dma_wait3A_343] : memref<2x4x128xi32, #tpu.memory_space<vmem>> -> memref<1x4x128xi32, #tpu.memory_space<vmem>>
        %dma_wait3A_345 = tpu.memref_squeeze %dma_wait3A_344 : memref<1x4x128xi32, #tpu.memory_space<vmem>> -> memref<4x128xi32, #tpu.memory_space<vmem>>
        %dma_wait3A_346 = arith.constant 0 : i32
        %dma_wait3A_347 = tpu.memref_slice %arg4[%add3A_203, %dma_wait3A_346] : memref<2560x128xi32, #tpu.memory_space<hbm>> -> memref<4x128xi32, #tpu.memory_space<hbm>>
        %dma_wait3A_348 = arith.constant 0 : i32
        %dma_wait3A_349 = arith.constant 0 : i32
        %dma_wait3A_350 = tpu.memref_slice %arg8[%run_scoped3A_204, %dma_wait3A_348, %dma_wait3A_349] : memref<2x4x128xi32, #tpu.memory_space<vmem>> -> memref<1x4x128xi32, #tpu.memory_space<vmem>>
        %dma_wait3A_351 = tpu.memref_squeeze %dma_wait3A_350 : memref<1x4x128xi32, #tpu.memory_space<vmem>> -> memref<4x128xi32, #tpu.memory_space<vmem>>
        %dma_wait3A_352 = arith.constant 0 : i32
        %dma_wait3A_353 = tpu.memref_slice %arg4[%add3A_203, %dma_wait3A_352] : memref<2560x128xi32, #tpu.memory_space<hbm>> -> memref<4x128xi32, #tpu.memory_space<hbm>>
        tpu.wait_dma2 semaphore(%run_scoped3A_329 : memref<!tpu.dma_semaphore, #tpu.memory_space<semaphore_mem>>) src(%dma_wait3A_353 : memref<4x128xi32, #tpu.memory_space<hbm>>) dst(%dma_wait3A_351 : memref<4x128xi32, #tpu.memory_space<vmem>>)
        tpu.yield
      }) : () -> ()
      %dma_start3A_205 = arith.constant 1 : i32
      %dma_start3A_206 = arith.constant 0 : i32
      %dma_start3A_207 = arith.constant 1 : i32
      %dma_start3A_208 = arith.constant 0 : i32
      %dma_start3A_209 = arith.constant 0 : i32
      %dma_start3A_210 = tpu.memref_slice %arg9[%dma_start3A_207, %dma_start3A_208, %dma_start3A_209] : memref<2x512x64xf32, #tpu.memory_space<vmem>> -> memref<1x128x64xf32, #tpu.memory_space<vmem>>
      %dma_start3A_211 = tpu.memref_squeeze %dma_start3A_210 : memref<1x128x64xf32, #tpu.memory_space<vmem>> -> memref<128x64xf32, #tpu.memory_space<vmem>>
      %dma_start3A_212 = arith.constant 0 : i32
      %dma_start3A_213 = tpu.memref_slice %arg8[%dma_start3A_205, %dma_start3A_206, %dma_start3A_212] : memref<2x4x128xi32, #tpu.memory_space<vmem>> -> memref<1x1x128xi32, #tpu.memory_space<vmem>>
      %dma_start3A_214 = tpu.memref_squeeze %dma_start3A_213 : memref<1x1x128xi32, #tpu.memory_space<vmem>> -> memref<128xi32, #tpu.memory_space<vmem>>
      %dma_start3A_215 = arith.constant 0 : i32
      %dma_start3A_216 = arith.constant 0 : i32
      %dma_start3A_217 = tpu.memref_slice %arg2[%dma_start3A_215, %dma_start3A_216] : memref<1000000x64xf32, #tpu.memory_space<hbm>> -> memref<1000000x64xf32, #tpu.memory_space<hbm>>
      tpu.enqueue_indirect_dma source(%dma_start3A_217 : memref<1000000x64xf32, #tpu.memory_space<hbm>>) target(%dma_start3A_211 : memref<128x64xf32, #tpu.memory_space<vmem>>) offsets(%dma_start3A_214 : memref<128xi32, #tpu.memory_space<vmem>>) semaphore(%arg13 : memref<!tpu.dma_semaphore, #tpu.memory_space<semaphore_mem>>)
      %dma_start3A_218 = arith.constant 1 : i32
      %dma_start3A_219 = arith.constant 1 : i32
      %dma_start3A_220 = arith.constant 1 : i32
      %dma_start3A_221 = arith.constant 128 : i32
      %dma_start3A_222 = arith.constant 0 : i32
      %dma_start3A_223 = tpu.memref_slice %arg9[%dma_start3A_220, %dma_start3A_221, %dma_start3A_222] : memref<2x512x64xf32, #tpu.memory_space<vmem>> -> memref<1x128x64xf32, #tpu.memory_space<vmem>>
      %dma_start3A_224 = tpu.memref_squeeze %dma_start3A_223 : memref<1x128x64xf32, #tpu.memory_space<vmem>> -> memref<128x64xf32, #tpu.memory_space<vmem>>
      %dma_start3A_225 = arith.constant 0 : i32
      %dma_start3A_226 = tpu.memref_slice %arg8[%dma_start3A_218, %dma_start3A_219, %dma_start3A_225] : memref<2x4x128xi32, #tpu.memory_space<vmem>> -> memref<1x1x128xi32, #tpu.memory_space<vmem>>
      %dma_start3A_227 = tpu.memref_squeeze %dma_start3A_226 : memref<1x1x128xi32, #tpu.memory_space<vmem>> -> memref<128xi32, #tpu.memory_space<vmem>>
      %dma_start3A_228 = arith.constant 0 : i32
      %dma_start3A_229 = arith.constant 0 : i32
      %dma_start3A_230 = tpu.memref_slice %arg2[%dma_start3A_228, %dma_start3A_229] : memref<1000000x64xf32, #tpu.memory_space<hbm>> -> memref<1000000x64xf32, #tpu.memory_space<hbm>>
      tpu.enqueue_indirect_dma source(%dma_start3A_230 : memref<1000000x64xf32, #tpu.memory_space<hbm>>) target(%dma_start3A_224 : memref<128x64xf32, #tpu.memory_space<vmem>>) offsets(%dma_start3A_227 : memref<128xi32, #tpu.memory_space<vmem>>) semaphore(%arg13 : memref<!tpu.dma_semaphore, #tpu.memory_space<semaphore_mem>>)
      %dma_start3A_231 = arith.constant 1 : i32
      %dma_start3A_232 = arith.constant 2 : i32
      %dma_start3A_233 = arith.constant 1 : i32
      %dma_start3A_234 = arith.constant 256 : i32
      %dma_start3A_235 = arith.constant 0 : i32
      %dma_start3A_236 = tpu.memref_slice %arg9[%dma_start3A_233, %dma_start3A_234, %dma_start3A_235] : memref<2x512x64xf32, #tpu.memory_space<vmem>> -> memref<1x128x64xf32, #tpu.memory_space<vmem>>
      %dma_start3A_237 = tpu.memref_squeeze %dma_start3A_236 : memref<1x128x64xf32, #tpu.memory_space<vmem>> -> memref<128x64xf32, #tpu.memory_space<vmem>>
      %dma_start3A_238 = arith.constant 0 : i32
      %dma_start3A_239 = tpu.memref_slice %arg8[%dma_start3A_231, %dma_start3A_232, %dma_start3A_238] : memref<2x4x128xi32, #tpu.memory_space<vmem>> -> memref<1x1x128xi32, #tpu.memory_space<vmem>>
      %dma_start3A_240 = tpu.memref_squeeze %dma_start3A_239 : memref<1x1x128xi32, #tpu.memory_space<vmem>> -> memref<128xi32, #tpu.memory_space<vmem>>
      %dma_start3A_241 = arith.constant 0 : i32
      %dma_start3A_242 = arith.constant 0 : i32
      %dma_start3A_243 = tpu.memref_slice %arg2[%dma_start3A_241, %dma_start3A_242] : memref<1000000x64xf32, #tpu.memory_space<hbm>> -> memref<1000000x64xf32, #tpu.memory_space<hbm>>
      tpu.enqueue_indirect_dma source(%dma_start3A_243 : memref<1000000x64xf32, #tpu.memory_space<hbm>>) target(%dma_start3A_237 : memref<128x64xf32, #tpu.memory_space<vmem>>) offsets(%dma_start3A_240 : memref<128xi32, #tpu.memory_space<vmem>>) semaphore(%arg13 : memref<!tpu.dma_semaphore, #tpu.memory_space<semaphore_mem>>)
      %dma_start3A_244 = arith.constant 1 : i32
      %dma_start3A_245 = arith.constant 3 : i32
      %dma_start3A_246 = arith.constant 1 : i32
      %dma_start3A_247 = arith.constant 384 : i32
      %dma_start3A_248 = arith.constant 0 : i32
      %dma_start3A_249 = tpu.memref_slice %arg9[%dma_start3A_246, %dma_start3A_247, %dma_start3A_248] : memref<2x512x64xf32, #tpu.memory_space<vmem>> -> memref<1x128x64xf32, #tpu.memory_space<vmem>>
      %dma_start3A_250 = tpu.memref_squeeze %dma_start3A_249 : memref<1x128x64xf32, #tpu.memory_space<vmem>> -> memref<128x64xf32, #tpu.memory_space<vmem>>
      %dma_start3A_251 = arith.constant 0 : i32
      %dma_start3A_252 = tpu.memref_slice %arg8[%dma_start3A_244, %dma_start3A_245, %dma_start3A_251] : memref<2x4x128xi32, #tpu.memory_space<vmem>> -> memref<1x1x128xi32, #tpu.memory_space<vmem>>
      %dma_start3A_253 = tpu.memref_squeeze %dma_start3A_252 : memref<1x1x128xi32, #tpu.memory_space<vmem>> -> memref<128xi32, #tpu.memory_space<vmem>>
      %dma_start3A_254 = arith.constant 0 : i32
      %dma_start3A_255 = arith.constant 0 : i32
      %dma_start3A_256 = tpu.memref_slice %arg2[%dma_start3A_254, %dma_start3A_255] : memref<1000000x64xf32, #tpu.memory_space<hbm>> -> memref<1000000x64xf32, #tpu.memory_space<hbm>>
      tpu.enqueue_indirect_dma source(%dma_start3A_256 : memref<1000000x64xf32, #tpu.memory_space<hbm>>) target(%dma_start3A_250 : memref<128x64xf32, #tpu.memory_space<vmem>>) offsets(%dma_start3A_253 : memref<128xi32, #tpu.memory_space<vmem>>) semaphore(%arg13 : memref<!tpu.dma_semaphore, #tpu.memory_space<semaphore_mem>>)
      %mul3A_257 = arith.constant 128 : i32
      %mul3A_258 = arith.muli %mul3A_2, %mul3A_257 : i32
      %dma_wait3A_259 = arith.constant 0 : i32
      %dma_wait3A_260 = arith.constant 0 : i32
      %dma_wait3A_261 = arith.constant 0 : i32
      %dma_wait3A_262 = tpu.memref_slice %arg9[%dma_wait3A_259, %dma_wait3A_260, %dma_wait3A_261] : memref<2x512x64xf32, #tpu.memory_space<vmem>> -> memref<1x512x64xf32, #tpu.memory_space<vmem>>
      %dma_wait3A_263 = tpu.memref_squeeze %dma_wait3A_262 : memref<1x512x64xf32, #tpu.memory_space<vmem>> -> memref<512x64xf32, #tpu.memory_space<vmem>>
      %dma_wait3A_264 = arith.constant 0 : i32
      %dma_wait3A_265 = tpu.memref_slice %arg6[%mul3A_258, %dma_wait3A_264] : memref<327680x64xf32, #tpu.memory_space<hbm>> -> memref<512x64xf32, #tpu.memory_space<hbm>>
      %dma_wait3A_266 = arith.constant 0 : i32
      %dma_wait3A_267 = arith.constant 0 : i32
      %dma_wait3A_268 = tpu.memref_slice %arg9[%dma_wait3A_259, %dma_wait3A_266, %dma_wait3A_267] : memref<2x512x64xf32, #tpu.memory_space<vmem>> -> memref<1x512x64xf32, #tpu.memory_space<vmem>>
      %dma_wait3A_269 = tpu.memref_squeeze %dma_wait3A_268 : memref<1x512x64xf32, #tpu.memory_space<vmem>> -> memref<512x64xf32, #tpu.memory_space<vmem>>
      %dma_wait3A_270 = arith.constant 0 : i32
      %dma_wait3A_271 = tpu.memref_slice %arg6[%mul3A_258, %dma_wait3A_270] : memref<327680x64xf32, #tpu.memory_space<hbm>> -> memref<512x64xf32, #tpu.memory_space<hbm>>
      tpu.wait_dma2 semaphore(%arg12 : memref<!tpu.dma_semaphore, #tpu.memory_space<semaphore_mem>>) src(%dma_wait3A_271 : memref<512x64xf32, #tpu.memory_space<hbm>>) dst(%dma_wait3A_269 : memref<512x64xf32, #tpu.memory_space<vmem>>)
      %mul3A_272 = arith.constant 4 : i32
      %mul3A_273 = arith.muli %mul3A_196, %mul3A_272 : i32
      %add3A_274 = arith.addi %mul3A_2, %mul3A_273 : i32
      %mul3A_275 = arith.constant 128 : i32
      %mul3A_276 = arith.muli %add3A_274, %mul3A_275 : i32
      %dma_start3A_277 = arith.constant 0 : i32
      %dma_start3A_278 = arith.constant 0 : i32
      %dma_start3A_279 = arith.constant 0 : i32
      %dma_start3A_280 = tpu.memref_slice %arg9[%dma_start3A_277, %dma_start3A_278, %dma_start3A_279] : memref<2x512x64xf32, #tpu.memory_space<vmem>> -> memref<1x512x64xf32, #tpu.memory_space<vmem>>
      %dma_start3A_281 = tpu.memref_squeeze %dma_start3A_280 : memref<1x512x64xf32, #tpu.memory_space<vmem>> -> memref<512x64xf32, #tpu.memory_space<vmem>>
      %dma_start3A_282 = arith.constant 0 : i32
      %dma_start3A_283 = tpu.memref_slice %arg6[%mul3A_276, %dma_start3A_282] : memref<327680x64xf32, #tpu.memory_space<hbm>> -> memref<512x64xf32, #tpu.memory_space<hbm>>
      %dma_start3A_284 = arith.constant 0 : i32
      %dma_start3A_285 = tpu.memref_slice %arg6[%mul3A_276, %dma_start3A_284] : memref<327680x64xf32, #tpu.memory_space<hbm>> -> memref<512x64xf32, #tpu.memory_space<hbm>>
      %dma_start3A_286 = arith.constant 0 : i32
      %dma_start3A_287 = arith.constant 0 : i32
      %dma_start3A_288 = tpu.memref_slice %arg9[%dma_start3A_277, %dma_start3A_286, %dma_start3A_287] : memref<2x512x64xf32, #tpu.memory_space<vmem>> -> memref<1x512x64xf32, #tpu.memory_space<vmem>>
      %dma_start3A_289 = tpu.memref_squeeze %dma_start3A_288 : memref<1x512x64xf32, #tpu.memory_space<vmem>> -> memref<512x64xf32, #tpu.memory_space<vmem>>
      tpu.enqueue_dma source(%dma_start3A_289 : memref<512x64xf32, #tpu.memory_space<vmem>>) target(%dma_start3A_285 : memref<512x64xf32, #tpu.memory_space<hbm>>) target_semaphore(%arg14 : memref<!tpu.dma_semaphore, #tpu.memory_space<semaphore_mem>>)
      %lt3A = arith.constant 9 : i32
      %lt3A_290 = arith.cmpi slt, %scan3A_194, %lt3A : i32
      %convert_element_type3A_291 = arith.extui %lt3A_290 : i1 to i32
      %cond3A_292 = arith.constant 0 : i32
      %cond3A_293 = arith.cmpi ne, %convert_element_type3A_291, %cond3A_292 : i32
      scf.if %cond3A_293 {
        %mul3A_329 = arith.constant 128 : i32
        %mul3A_330 = arith.muli %mul3A_2, %mul3A_329 : i32
        %dma_wait3A_331 = arith.constant 0 : i32
        %dma_wait3A_332 = arith.constant 0 : i32
        %dma_wait3A_333 = arith.constant 0 : i32
        %dma_wait3A_334 = tpu.memref_slice %arg9[%dma_wait3A_331, %dma_wait3A_332, %dma_wait3A_333] : memref<2x512x64xf32, #tpu.memory_space<vmem>> -> memref<1x512x64xf32, #tpu.memory_space<vmem>>
        %dma_wait3A_335 = tpu.memref_squeeze %dma_wait3A_334 : memref<1x512x64xf32, #tpu.memory_space<vmem>> -> memref<512x64xf32, #tpu.memory_space<vmem>>
        %dma_wait3A_336 = arith.constant 0 : i32
        %dma_wait3A_337 = tpu.memref_slice %arg6[%mul3A_330, %dma_wait3A_336] : memref<327680x64xf32, #tpu.memory_space<hbm>> -> memref<512x64xf32, #tpu.memory_space<hbm>>
        %dma_wait3A_338 = arith.constant 0 : i32
        %dma_wait3A_339 = arith.constant 0 : i32
        %dma_wait3A_340 = tpu.memref_slice %arg9[%dma_wait3A_331, %dma_wait3A_338, %dma_wait3A_339] : memref<2x512x64xf32, #tpu.memory_space<vmem>> -> memref<1x512x64xf32, #tpu.memory_space<vmem>>
        %dma_wait3A_341 = tpu.memref_squeeze %dma_wait3A_340 : memref<1x512x64xf32, #tpu.memory_space<vmem>> -> memref<512x64xf32, #tpu.memory_space<vmem>>
        %dma_wait3A_342 = arith.constant 0 : i32
        %dma_wait3A_343 = tpu.memref_slice %arg6[%mul3A_330, %dma_wait3A_342] : memref<327680x64xf32, #tpu.memory_space<hbm>> -> memref<512x64xf32, #tpu.memory_space<hbm>>
        tpu.wait_dma2 semaphore(%arg14 : memref<!tpu.dma_semaphore, #tpu.memory_space<semaphore_mem>>) src(%dma_wait3A_343 : memref<512x64xf32, #tpu.memory_space<hbm>>) dst(%dma_wait3A_341 : memref<512x64xf32, #tpu.memory_space<vmem>>)
        %add3A_344 = arith.constant 2 : i32
        %add3A_345 = arith.addi %mul3A_196, %add3A_344 : i32
        %mul3A_346 = arith.constant 4 : i32
        %mul3A_347 = arith.muli %add3A_345, %mul3A_346 : i32
        %add3A_348 = arith.addi %mul3A_2, %mul3A_347 : i32
        %run_scoped3A_349 = arith.constant 0 : i32
        "tpu.region"() ({
          %run_scoped3A_402 = tpu.sem_alloc : memref<!tpu.dma_semaphore, #tpu.memory_space<semaphore_mem>>
          %dma_start3A_403 = arith.constant 0 : i32
          %dma_start3A_404 = arith.constant 0 : i32
          %dma_start3A_405 = tpu.memref_slice %arg8[%run_scoped3A_349, %dma_start3A_403, %dma_start3A_404] : memref<2x4x128xi32, #tpu.memory_space<vmem>> -> memref<1x4x128xi32, #tpu.memory_space<vmem>>
          %dma_start3A_406 = tpu.memref_squeeze %dma_start3A_405 : memref<1x4x128xi32, #tpu.memory_space<vmem>> -> memref<4x128xi32, #tpu.memory_space<vmem>>
          %dma_start3A_407 = arith.constant 0 : i32
          %dma_start3A_408 = tpu.memref_slice %arg4[%add3A_348, %dma_start3A_407] : memref<2560x128xi32, #tpu.memory_space<hbm>> -> memref<4x128xi32, #tpu.memory_space<hbm>>
          %dma_start3A_409 = arith.constant 0 : i32
          %dma_start3A_410 = arith.constant 0 : i32
          %dma_start3A_411 = tpu.memref_slice %arg8[%run_scoped3A_349, %dma_start3A_409, %dma_start3A_410] : memref<2x4x128xi32, #tpu.memory_space<vmem>> -> memref<1x4x128xi32, #tpu.memory_space<vmem>>
          %dma_start3A_412 = tpu.memref_squeeze %dma_start3A_411 : memref<1x4x128xi32, #tpu.memory_space<vmem>> -> memref<4x128xi32, #tpu.memory_space<vmem>>
          %dma_start3A_413 = arith.constant 0 : i32
          %dma_start3A_414 = tpu.memref_slice %arg4[%add3A_348, %dma_start3A_413] : memref<2560x128xi32, #tpu.memory_space<hbm>> -> memref<4x128xi32, #tpu.memory_space<hbm>>
          tpu.enqueue_dma source(%dma_start3A_414 : memref<4x128xi32, #tpu.memory_space<hbm>>) target(%dma_start3A_412 : memref<4x128xi32, #tpu.memory_space<vmem>>) target_semaphore(%run_scoped3A_402 : memref<!tpu.dma_semaphore, #tpu.memory_space<semaphore_mem>>)
          %dma_wait3A_415 = arith.constant 0 : i32
          %dma_wait3A_416 = arith.constant 0 : i32
          %dma_wait3A_417 = tpu.memref_slice %arg8[%run_scoped3A_349, %dma_wait3A_415, %dma_wait3A_416] : memref<2x4x128xi32, #tpu.memory_space<vmem>> -> memref<1x4x128xi32, #tpu.memory_space<vmem>>
          %dma_wait3A_418 = tpu.memref_squeeze %dma_wait3A_417 : memref<1x4x128xi32, #tpu.memory_space<vmem>> -> memref<4x128xi32, #tpu.memory_space<vmem>>
          %dma_wait3A_419 = arith.constant 0 : i32
          %dma_wait3A_420 = tpu.memref_slice %arg4[%add3A_348, %dma_wait3A_419] : memref<2560x128xi32, #tpu.memory_space<hbm>> -> memref<4x128xi32, #tpu.memory_space<hbm>>
          %dma_wait3A_421 = arith.constant 0 : i32
          %dma_wait3A_422 = arith.constant 0 : i32
          %dma_wait3A_423 = tpu.memref_slice %arg8[%run_scoped3A_349, %dma_wait3A_421, %dma_wait3A_422] : memref<2x4x128xi32, #tpu.memory_space<vmem>> -> memref<1x4x128xi32, #tpu.memory_space<vmem>>
          %dma_wait3A_424 = tpu.memref_squeeze %dma_wait3A_423 : memref<1x4x128xi32, #tpu.memory_space<vmem>> -> memref<4x128xi32, #tpu.memory_space<vmem>>
          %dma_wait3A_425 = arith.constant 0 : i32
          %dma_wait3A_426 = tpu.memref_slice %arg4[%add3A_348, %dma_wait3A_425] : memref<2560x128xi32, #tpu.memory_space<hbm>> -> memref<4x128xi32, #tpu.memory_space<hbm>>
          tpu.wait_dma2 semaphore(%run_scoped3A_402 : memref<!tpu.dma_semaphore, #tpu.memory_space<semaphore_mem>>) src(%dma_wait3A_426 : memref<4x128xi32, #tpu.memory_space<hbm>>) dst(%dma_wait3A_424 : memref<4x128xi32, #tpu.memory_space<vmem>>)
          tpu.yield
        }) : () -> ()
        %dma_start3A_350 = arith.constant 0 : i32
        %dma_start3A_351 = arith.constant 0 : i32
        %dma_start3A_352 = arith.constant 0 : i32
        %dma_start3A_353 = arith.constant 0 : i32
        %dma_start3A_354 = arith.constant 0 : i32
        %dma_start3A_355 = tpu.memref_slice %arg9[%dma_start3A_352, %dma_start3A_353, %dma_start3A_354] : memref<2x512x64xf32, #tpu.memory_space<vmem>> -> memref<1x128x64xf32, #tpu.memory_space<vmem>>
        %dma_start3A_356 = tpu.memref_squeeze %dma_start3A_355 : memref<1x128x64xf32, #tpu.memory_space<vmem>> -> memref<128x64xf32, #tpu.memory_space<vmem>>
        %dma_start3A_357 = arith.constant 0 : i32
        %dma_start3A_358 = tpu.memref_slice %arg8[%dma_start3A_350, %dma_start3A_351, %dma_start3A_357] : memref<2x4x128xi32, #tpu.memory_space<vmem>> -> memref<1x1x128xi32, #tpu.memory_space<vmem>>
        %dma_start3A_359 = tpu.memref_squeeze %dma_start3A_358 : memref<1x1x128xi32, #tpu.memory_space<vmem>> -> memref<128xi32, #tpu.memory_space<vmem>>
        %dma_start3A_360 = arith.constant 0 : i32
        %dma_start3A_361 = arith.constant 0 : i32
        %dma_start3A_362 = tpu.memref_slice %arg2[%dma_start3A_360, %dma_start3A_361] : memref<1000000x64xf32, #tpu.memory_space<hbm>> -> memref<1000000x64xf32, #tpu.memory_space<hbm>>
        tpu.enqueue_indirect_dma source(%dma_start3A_362 : memref<1000000x64xf32, #tpu.memory_space<hbm>>) target(%dma_start3A_356 : memref<128x64xf32, #tpu.memory_space<vmem>>) offsets(%dma_start3A_359 : memref<128xi32, #tpu.memory_space<vmem>>) semaphore(%arg12 : memref<!tpu.dma_semaphore, #tpu.memory_space<semaphore_mem>>)
        %dma_start3A_363 = arith.constant 0 : i32
        %dma_start3A_364 = arith.constant 1 : i32
        %dma_start3A_365 = arith.constant 0 : i32
        %dma_start3A_366 = arith.constant 128 : i32
        %dma_start3A_367 = arith.constant 0 : i32
        %dma_start3A_368 = tpu.memref_slice %arg9[%dma_start3A_365, %dma_start3A_366, %dma_start3A_367] : memref<2x512x64xf32, #tpu.memory_space<vmem>> -> memref<1x128x64xf32, #tpu.memory_space<vmem>>
        %dma_start3A_369 = tpu.memref_squeeze %dma_start3A_368 : memref<1x128x64xf32, #tpu.memory_space<vmem>> -> memref<128x64xf32, #tpu.memory_space<vmem>>
        %dma_start3A_370 = arith.constant 0 : i32
        %dma_start3A_371 = tpu.memref_slice %arg8[%dma_start3A_363, %dma_start3A_364, %dma_start3A_370] : memref<2x4x128xi32, #tpu.memory_space<vmem>> -> memref<1x1x128xi32, #tpu.memory_space<vmem>>
        %dma_start3A_372 = tpu.memref_squeeze %dma_start3A_371 : memref<1x1x128xi32, #tpu.memory_space<vmem>> -> memref<128xi32, #tpu.memory_space<vmem>>
        %dma_start3A_373 = arith.constant 0 : i32
        %dma_start3A_374 = arith.constant 0 : i32
        %dma_start3A_375 = tpu.memref_slice %arg2[%dma_start3A_373, %dma_start3A_374] : memref<1000000x64xf32, #tpu.memory_space<hbm>> -> memref<1000000x64xf32, #tpu.memory_space<hbm>>
        tpu.enqueue_indirect_dma source(%dma_start3A_375 : memref<1000000x64xf32, #tpu.memory_space<hbm>>) target(%dma_start3A_369 : memref<128x64xf32, #tpu.memory_space<vmem>>) offsets(%dma_start3A_372 : memref<128xi32, #tpu.memory_space<vmem>>) semaphore(%arg12 : memref<!tpu.dma_semaphore, #tpu.memory_space<semaphore_mem>>)
        %dma_start3A_376 = arith.constant 0 : i32
        %dma_start3A_377 = arith.constant 2 : i32
        %dma_start3A_378 = arith.constant 0 : i32
        %dma_start3A_379 = arith.constant 256 : i32
        %dma_start3A_380 = arith.constant 0 : i32
        %dma_start3A_381 = tpu.memref_slice %arg9[%dma_start3A_378, %dma_start3A_379, %dma_start3A_380] : memref<2x512x64xf32, #tpu.memory_space<vmem>> -> memref<1x128x64xf32, #tpu.memory_space<vmem>>
        %dma_start3A_382 = tpu.memref_squeeze %dma_start3A_381 : memref<1x128x64xf32, #tpu.memory_space<vmem>> -> memref<128x64xf32, #tpu.memory_space<vmem>>
        %dma_start3A_383 = arith.constant 0 : i32
        %dma_start3A_384 = tpu.memref_slice %arg8[%dma_start3A_376, %dma_start3A_377, %dma_start3A_383] : memref<2x4x128xi32, #tpu.memory_space<vmem>> -> memref<1x1x128xi32, #tpu.memory_space<vmem>>
        %dma_start3A_385 = tpu.memref_squeeze %dma_start3A_384 : memref<1x1x128xi32, #tpu.memory_space<vmem>> -> memref<128xi32, #tpu.memory_space<vmem>>
        %dma_start3A_386 = arith.constant 0 : i32
        %dma_start3A_387 = arith.constant 0 : i32
        %dma_start3A_388 = tpu.memref_slice %arg2[%dma_start3A_386, %dma_start3A_387] : memref<1000000x64xf32, #tpu.memory_space<hbm>> -> memref<1000000x64xf32, #tpu.memory_space<hbm>>
        tpu.enqueue_indirect_dma source(%dma_start3A_388 : memref<1000000x64xf32, #tpu.memory_space<hbm>>) target(%dma_start3A_382 : memref<128x64xf32, #tpu.memory_space<vmem>>) offsets(%dma_start3A_385 : memref<128xi32, #tpu.memory_space<vmem>>) semaphore(%arg12 : memref<!tpu.dma_semaphore, #tpu.memory_space<semaphore_mem>>)
        %dma_start3A_389 = arith.constant 0 : i32
        %dma_start3A_390 = arith.constant 3 : i32
        %dma_start3A_391 = arith.constant 0 : i32
        %dma_start3A_392 = arith.constant 384 : i32
        %dma_start3A_393 = arith.constant 0 : i32
        %dma_start3A_394 = tpu.memref_slice %arg9[%dma_start3A_391, %dma_start3A_392, %dma_start3A_393] : memref<2x512x64xf32, #tpu.memory_space<vmem>> -> memref<1x128x64xf32, #tpu.memory_space<vmem>>
        %dma_start3A_395 = tpu.memref_squeeze %dma_start3A_394 : memref<1x128x64xf32, #tpu.memory_space<vmem>> -> memref<128x64xf32, #tpu.memory_space<vmem>>
        %dma_start3A_396 = arith.constant 0 : i32
        %dma_start3A_397 = tpu.memref_slice %arg8[%dma_start3A_389, %dma_start3A_390, %dma_start3A_396] : memref<2x4x128xi32, #tpu.memory_space<vmem>> -> memref<1x1x128xi32, #tpu.memory_space<vmem>>
        %dma_start3A_398 = tpu.memref_squeeze %dma_start3A_397 : memref<1x1x128xi32, #tpu.memory_space<vmem>> -> memref<128xi32, #tpu.memory_space<vmem>>
        %dma_start3A_399 = arith.constant 0 : i32
        %dma_start3A_400 = arith.constant 0 : i32
        %dma_start3A_401 = tpu.memref_slice %arg2[%dma_start3A_399, %dma_start3A_400] : memref<1000000x64xf32, #tpu.memory_space<hbm>> -> memref<1000000x64xf32, #tpu.memory_space<hbm>>
        tpu.enqueue_indirect_dma source(%dma_start3A_401 : memref<1000000x64xf32, #tpu.memory_space<hbm>>) target(%dma_start3A_395 : memref<128x64xf32, #tpu.memory_space<vmem>>) offsets(%dma_start3A_398 : memref<128xi32, #tpu.memory_space<vmem>>) semaphore(%arg12 : memref<!tpu.dma_semaphore, #tpu.memory_space<semaphore_mem>>)
      } else {
      }
      %mul3A_294 = arith.constant 128 : i32
      %mul3A_295 = arith.muli %mul3A_2, %mul3A_294 : i32
      %dma_wait3A_296 = arith.constant 1 : i32
      %dma_wait3A_297 = arith.constant 0 : i32
      %dma_wait3A_298 = arith.constant 0 : i32
      %dma_wait3A_299 = tpu.memref_slice %arg9[%dma_wait3A_296, %dma_wait3A_297, %dma_wait3A_298] : memref<2x512x64xf32, #tpu.memory_space<vmem>> -> memref<1x512x64xf32, #tpu.memory_space<vmem>>
      %dma_wait3A_300 = tpu.memref_squeeze %dma_wait3A_299 : memref<1x512x64xf32, #tpu.memory_space<vmem>> -> memref<512x64xf32, #tpu.memory_space<vmem>>
      %dma_wait3A_301 = arith.constant 0 : i32
      %dma_wait3A_302 = tpu.memref_slice %arg6[%mul3A_295, %dma_wait3A_301] : memref<327680x64xf32, #tpu.memory_space<hbm>> -> memref<512x64xf32, #tpu.memory_space<hbm>>
      %dma_wait3A_303 = arith.constant 0 : i32
      %dma_wait3A_304 = arith.constant 0 : i32
      %dma_wait3A_305 = tpu.memref_slice %arg9[%dma_wait3A_296, %dma_wait3A_303, %dma_wait3A_304] : memref<2x512x64xf32, #tpu.memory_space<vmem>> -> memref<1x512x64xf32, #tpu.memory_space<vmem>>
      %dma_wait3A_306 = tpu.memref_squeeze %dma_wait3A_305 : memref<1x512x64xf32, #tpu.memory_space<vmem>> -> memref<512x64xf32, #tpu.memory_space<vmem>>
      %dma_wait3A_307 = arith.constant 0 : i32
      %dma_wait3A_308 = tpu.memref_slice %arg6[%mul3A_295, %dma_wait3A_307] : memref<327680x64xf32, #tpu.memory_space<hbm>> -> memref<512x64xf32, #tpu.memory_space<hbm>>
      tpu.wait_dma2 semaphore(%arg13 : memref<!tpu.dma_semaphore, #tpu.memory_space<semaphore_mem>>) src(%dma_wait3A_308 : memref<512x64xf32, #tpu.memory_space<hbm>>) dst(%dma_wait3A_306 : memref<512x64xf32, #tpu.memory_space<vmem>>)
      %add3A_309 = arith.constant 1 : i32
      %add3A_310 = arith.addi %mul3A_196, %add3A_309 : i32
      %mul3A_311 = arith.constant 4 : i32
      %mul3A_312 = arith.muli %add3A_310, %mul3A_311 : i32
      %add3A_313 = arith.addi %mul3A_2, %mul3A_312 : i32
      %mul3A_314 = arith.constant 128 : i32
      %mul3A_315 = arith.muli %add3A_313, %mul3A_314 : i32
      %dma_start3A_316 = arith.constant 1 : i32
      %dma_start3A_317 = arith.constant 0 : i32
      %dma_start3A_318 = arith.constant 0 : i32
      %dma_start3A_319 = tpu.memref_slice %arg9[%dma_start3A_316, %dma_start3A_317, %dma_start3A_318] : memref<2x512x64xf32, #tpu.memory_space<vmem>> -> memref<1x512x64xf32, #tpu.memory_space<vmem>>
      %dma_start3A_320 = tpu.memref_squeeze %dma_start3A_319 : memref<1x512x64xf32, #tpu.memory_space<vmem>> -> memref<512x64xf32, #tpu.memory_space<vmem>>
      %dma_start3A_321 = arith.constant 0 : i32
      %dma_start3A_322 = tpu.memref_slice %arg6[%mul3A_315, %dma_start3A_321] : memref<327680x64xf32, #tpu.memory_space<hbm>> -> memref<512x64xf32, #tpu.memory_space<hbm>>
      %dma_start3A_323 = arith.constant 0 : i32
      %dma_start3A_324 = tpu.memref_slice %arg6[%mul3A_315, %dma_start3A_323] : memref<327680x64xf32, #tpu.memory_space<hbm>> -> memref<512x64xf32, #tpu.memory_space<hbm>>
      %dma_start3A_325 = arith.constant 0 : i32
      %dma_start3A_326 = arith.constant 0 : i32
      %dma_start3A_327 = tpu.memref_slice %arg9[%dma_start3A_316, %dma_start3A_325, %dma_start3A_326] : memref<2x512x64xf32, #tpu.memory_space<vmem>> -> memref<1x512x64xf32, #tpu.memory_space<vmem>>
      %dma_start3A_328 = tpu.memref_squeeze %dma_start3A_327 : memref<1x512x64xf32, #tpu.memory_space<vmem>> -> memref<512x64xf32, #tpu.memory_space<vmem>>
      tpu.enqueue_dma source(%dma_start3A_328 : memref<512x64xf32, #tpu.memory_space<vmem>>) target(%dma_start3A_324 : memref<512x64xf32, #tpu.memory_space<hbm>>) target_semaphore(%arg15 : memref<!tpu.dma_semaphore, #tpu.memory_space<semaphore_mem>>)
    }
    %scan3A_60 = arith.constant 10 : i32
    %mul3A_61 = arith.constant 128 : i32
    %mul3A_62 = arith.muli %mul3A_2, %mul3A_61 : i32
    %dma_wait3A = arith.constant 0 : i32
    %dma_wait3A_63 = arith.constant 0 : i32
    %dma_wait3A_64 = arith.constant 0 : i32
    %dma_wait3A_65 = tpu.memref_slice %arg9[%dma_wait3A, %dma_wait3A_63, %dma_wait3A_64] : memref<2x512x64xf32, #tpu.memory_space<vmem>> -> memref<1x512x64xf32, #tpu.memory_space<vmem>>
    %dma_wait3A_66 = tpu.memref_squeeze %dma_wait3A_65 : memref<1x512x64xf32, #tpu.memory_space<vmem>> -> memref<512x64xf32, #tpu.memory_space<vmem>>
    %dma_wait3A_67 = arith.constant 0 : i32
    %dma_wait3A_68 = tpu.memref_slice %arg6[%mul3A_62, %dma_wait3A_67] : memref<327680x64xf32, #tpu.memory_space<hbm>> -> memref<512x64xf32, #tpu.memory_space<hbm>>
    %dma_wait3A_69 = arith.constant 0 : i32
    %dma_wait3A_70 = arith.constant 0 : i32
    %dma_wait3A_71 = tpu.memref_slice %arg9[%dma_wait3A, %dma_wait3A_69, %dma_wait3A_70] : memref<2x512x64xf32, #tpu.memory_space<vmem>> -> memref<1x512x64xf32, #tpu.memory_space<vmem>>
    %dma_wait3A_72 = tpu.memref_squeeze %dma_wait3A_71 : memref<1x512x64xf32, #tpu.memory_space<vmem>> -> memref<512x64xf32, #tpu.memory_space<vmem>>
    %dma_wait3A_73 = arith.constant 0 : i32
    %dma_wait3A_74 = tpu.memref_slice %arg6[%mul3A_62, %dma_wait3A_73] : memref<327680x64xf32, #tpu.memory_space<hbm>> -> memref<512x64xf32, #tpu.memory_space<hbm>>
    tpu.wait_dma2 semaphore(%arg14 : memref<!tpu.dma_semaphore, #tpu.memory_space<semaphore_mem>>) src(%dma_wait3A_74 : memref<512x64xf32, #tpu.memory_space<hbm>>) dst(%dma_wait3A_72 : memref<512x64xf32, #tpu.memory_space<vmem>>)
    %mul3A_75 = arith.constant 128 : i32
    %mul3A_76 = arith.muli %mul3A_2, %mul3A_75 : i32
    %dma_wait3A_77 = arith.constant 1 : i32
    %dma_wait3A_78 = arith.constant 0 : i32
    %dma_wait3A_79 = arith.constant 0 : i32
    %dma_wait3A_80 = tpu.memref_slice %arg9[%dma_wait3A_77, %dma_wait3A_78, %dma_wait3A_79] : memref<2x512x64xf32, #tpu.memory_space<vmem>> -> memref<1x512x64xf32, #tpu.memory_space<vmem>>
    %dma_wait3A_81 = tpu.memref_squeeze %dma_wait3A_80 : memref<1x512x64xf32, #tpu.memory_space<vmem>> -> memref<512x64xf32, #tpu.memory_space<vmem>>
    %dma_wait3A_82 = arith.constant 0 : i32
    %dma_wait3A_83 = tpu.memref_slice %arg6[%mul3A_76, %dma_wait3A_82] : memref<327680x64xf32, #tpu.memory_space<hbm>> -> memref<512x64xf32, #tpu.memory_space<hbm>>
    %dma_wait3A_84 = arith.constant 0 : i32
    %dma_wait3A_85 = arith.constant 0 : i32
    %dma_wait3A_86 = tpu.memref_slice %arg9[%dma_wait3A_77, %dma_wait3A_84, %dma_wait3A_85] : memref<2x512x64xf32, #tpu.memory_space<vmem>> -> memref<1x512x64xf32, #tpu.memory_space<vmem>>
    %dma_wait3A_87 = tpu.memref_squeeze %dma_wait3A_86 : memref<1x512x64xf32, #tpu.memory_space<vmem>> -> memref<512x64xf32, #tpu.memory_space<vmem>>
    %dma_wait3A_88 = arith.constant 0 : i32
    %dma_wait3A_89 = tpu.memref_slice %arg6[%mul3A_76, %dma_wait3A_88] : memref<327680x64xf32, #tpu.memory_space<hbm>> -> memref<512x64xf32, #tpu.memory_space<hbm>>
    tpu.wait_dma2 semaphore(%arg15 : memref<!tpu.dma_semaphore, #tpu.memory_space<semaphore_mem>>) src(%dma_wait3A_89 : memref<512x64xf32, #tpu.memory_space<hbm>>) dst(%dma_wait3A_87 : memref<512x64xf32, #tpu.memory_space<vmem>>)
    %add3A_90 = arith.constant 0 : i32
    %add3A_91 = arith.addi %mul3A_2, %add3A_90 : i32
    %run_scoped3A_92 = arith.constant 0 : i32
    "tpu.region"() ({
      %run_scoped3A_194 = tpu.sem_alloc : memref<!tpu.dma_semaphore, #tpu.memory_space<semaphore_mem>>
      %dma_start3A_195 = arith.constant 0 : i32
      %dma_start3A_196 = arith.constant 0 : i32
      %dma_start3A_197 = tpu.memref_slice %arg10[%run_scoped3A_92, %dma_start3A_195, %dma_start3A_196] : memref<2x5x128xi32, #tpu.memory_space<vmem>> -> memref<1x5x128xi32, #tpu.memory_space<vmem>>
      %dma_start3A_198 = tpu.memref_squeeze %dma_start3A_197 : memref<1x5x128xi32, #tpu.memory_space<vmem>> -> memref<5x128xi32, #tpu.memory_space<vmem>>
      %dma_start3A_199 = arith.constant 0 : i32
      %dma_start3A_200 = tpu.memref_slice %arg5[%add3A_91, %dma_start3A_199] : memref<2560x128xi32, #tpu.memory_space<hbm>> -> memref<5x128xi32, #tpu.memory_space<hbm>>
      %dma_start3A_201 = arith.constant 0 : i32
      %dma_start3A_202 = arith.constant 0 : i32
      %dma_start3A_203 = tpu.memref_slice %arg10[%run_scoped3A_92, %dma_start3A_201, %dma_start3A_202] : memref<2x5x128xi32, #tpu.memory_space<vmem>> -> memref<1x5x128xi32, #tpu.memory_space<vmem>>
      %dma_start3A_204 = tpu.memref_squeeze %dma_start3A_203 : memref<1x5x128xi32, #tpu.memory_space<vmem>> -> memref<5x128xi32, #tpu.memory_space<vmem>>
      %dma_start3A_205 = arith.constant 0 : i32
      %dma_start3A_206 = tpu.memref_slice %arg5[%add3A_91, %dma_start3A_205] : memref<2560x128xi32, #tpu.memory_space<hbm>> -> memref<5x128xi32, #tpu.memory_space<hbm>>
      tpu.enqueue_dma source(%dma_start3A_206 : memref<5x128xi32, #tpu.memory_space<hbm>>) target(%dma_start3A_204 : memref<5x128xi32, #tpu.memory_space<vmem>>) target_semaphore(%run_scoped3A_194 : memref<!tpu.dma_semaphore, #tpu.memory_space<semaphore_mem>>)
      %dma_wait3A_207 = arith.constant 0 : i32
      %dma_wait3A_208 = arith.constant 0 : i32
      %dma_wait3A_209 = tpu.memref_slice %arg10[%run_scoped3A_92, %dma_wait3A_207, %dma_wait3A_208] : memref<2x5x128xi32, #tpu.memory_space<vmem>> -> memref<1x5x128xi32, #tpu.memory_space<vmem>>
      %dma_wait3A_210 = tpu.memref_squeeze %dma_wait3A_209 : memref<1x5x128xi32, #tpu.memory_space<vmem>> -> memref<5x128xi32, #tpu.memory_space<vmem>>
      %dma_wait3A_211 = arith.constant 0 : i32
      %dma_wait3A_212 = tpu.memref_slice %arg5[%add3A_91, %dma_wait3A_211] : memref<2560x128xi32, #tpu.memory_space<hbm>> -> memref<5x128xi32, #tpu.memory_space<hbm>>
      %dma_wait3A_213 = arith.constant 0 : i32
      %dma_wait3A_214 = arith.constant 0 : i32
      %dma_wait3A_215 = tpu.memref_slice %arg10[%run_scoped3A_92, %dma_wait3A_213, %dma_wait3A_214] : memref<2x5x128xi32, #tpu.memory_space<vmem>> -> memref<1x5x128xi32, #tpu.memory_space<vmem>>
      %dma_wait3A_216 = tpu.memref_squeeze %dma_wait3A_215 : memref<1x5x128xi32, #tpu.memory_space<vmem>> -> memref<5x128xi32, #tpu.memory_space<vmem>>
      %dma_wait3A_217 = arith.constant 0 : i32
      %dma_wait3A_218 = tpu.memref_slice %arg5[%add3A_91, %dma_wait3A_217] : memref<2560x128xi32, #tpu.memory_space<hbm>> -> memref<5x128xi32, #tpu.memory_space<hbm>>
      tpu.wait_dma2 semaphore(%run_scoped3A_194 : memref<!tpu.dma_semaphore, #tpu.memory_space<semaphore_mem>>) src(%dma_wait3A_218 : memref<5x128xi32, #tpu.memory_space<hbm>>) dst(%dma_wait3A_216 : memref<5x128xi32, #tpu.memory_space<vmem>>)
      tpu.yield
    }) : () -> ()
    %dma_start3A_93 = arith.constant 0 : i32
    %dma_start3A_94 = arith.constant 0 : i32
    %dma_start3A_95 = arith.constant 0 : i32
    %dma_start3A_96 = arith.constant 0 : i32
    %dma_start3A_97 = arith.constant 0 : i32
    %dma_start3A_98 = tpu.memref_slice %arg11[%dma_start3A_95, %dma_start3A_96, %dma_start3A_97] : memref<2x640x32xf32, #tpu.memory_space<vmem>> -> memref<1x128x32xf32, #tpu.memory_space<vmem>>
    %dma_start3A_99 = tpu.memref_squeeze %dma_start3A_98 : memref<1x128x32xf32, #tpu.memory_space<vmem>> -> memref<128x32xf32, #tpu.memory_space<vmem>>
    %dma_start3A_100 = arith.constant 0 : i32
    %dma_start3A_101 = tpu.memref_slice %arg10[%dma_start3A_93, %dma_start3A_94, %dma_start3A_100] : memref<2x5x128xi32, #tpu.memory_space<vmem>> -> memref<1x1x128xi32, #tpu.memory_space<vmem>>
    %dma_start3A_102 = tpu.memref_squeeze %dma_start3A_101 : memref<1x1x128xi32, #tpu.memory_space<vmem>> -> memref<128xi32, #tpu.memory_space<vmem>>
    %dma_start3A_103 = arith.constant 0 : i32
    %dma_start3A_104 = arith.constant 0 : i32
    %dma_start3A_105 = tpu.memref_slice %arg3[%dma_start3A_103, %dma_start3A_104] : memref<100000x32xf32, #tpu.memory_space<hbm>> -> memref<100000x32xf32, #tpu.memory_space<hbm>>
    tpu.enqueue_indirect_dma source(%dma_start3A_105 : memref<100000x32xf32, #tpu.memory_space<hbm>>) target(%dma_start3A_99 : memref<128x32xf32, #tpu.memory_space<vmem>>) offsets(%dma_start3A_102 : memref<128xi32, #tpu.memory_space<vmem>>) semaphore(%arg12 : memref<!tpu.dma_semaphore, #tpu.memory_space<semaphore_mem>>)
    %dma_start3A_106 = arith.constant 0 : i32
    %dma_start3A_107 = arith.constant 1 : i32
    %dma_start3A_108 = arith.constant 0 : i32
    %dma_start3A_109 = arith.constant 128 : i32
    %dma_start3A_110 = arith.constant 0 : i32
    %dma_start3A_111 = tpu.memref_slice %arg11[%dma_start3A_108, %dma_start3A_109, %dma_start3A_110] : memref<2x640x32xf32, #tpu.memory_space<vmem>> -> memref<1x128x32xf32, #tpu.memory_space<vmem>>
    %dma_start3A_112 = tpu.memref_squeeze %dma_start3A_111 : memref<1x128x32xf32, #tpu.memory_space<vmem>> -> memref<128x32xf32, #tpu.memory_space<vmem>>
    %dma_start3A_113 = arith.constant 0 : i32
    %dma_start3A_114 = tpu.memref_slice %arg10[%dma_start3A_106, %dma_start3A_107, %dma_start3A_113] : memref<2x5x128xi32, #tpu.memory_space<vmem>> -> memref<1x1x128xi32, #tpu.memory_space<vmem>>
    %dma_start3A_115 = tpu.memref_squeeze %dma_start3A_114 : memref<1x1x128xi32, #tpu.memory_space<vmem>> -> memref<128xi32, #tpu.memory_space<vmem>>
    %dma_start3A_116 = arith.constant 0 : i32
    %dma_start3A_117 = arith.constant 0 : i32
    %dma_start3A_118 = tpu.memref_slice %arg3[%dma_start3A_116, %dma_start3A_117] : memref<100000x32xf32, #tpu.memory_space<hbm>> -> memref<100000x32xf32, #tpu.memory_space<hbm>>
    tpu.enqueue_indirect_dma source(%dma_start3A_118 : memref<100000x32xf32, #tpu.memory_space<hbm>>) target(%dma_start3A_112 : memref<128x32xf32, #tpu.memory_space<vmem>>) offsets(%dma_start3A_115 : memref<128xi32, #tpu.memory_space<vmem>>) semaphore(%arg12 : memref<!tpu.dma_semaphore, #tpu.memory_space<semaphore_mem>>)
    %dma_start3A_119 = arith.constant 0 : i32
    %dma_start3A_120 = arith.constant 2 : i32
    %dma_start3A_121 = arith.constant 0 : i32
    %dma_start3A_122 = arith.constant 256 : i32
    %dma_start3A_123 = arith.constant 0 : i32
    %dma_start3A_124 = tpu.memref_slice %arg11[%dma_start3A_121, %dma_start3A_122, %dma_start3A_123] : memref<2x640x32xf32, #tpu.memory_space<vmem>> -> memref<1x128x32xf32, #tpu.memory_space<vmem>>
    %dma_start3A_125 = tpu.memref_squeeze %dma_start3A_124 : memref<1x128x32xf32, #tpu.memory_space<vmem>> -> memref<128x32xf32, #tpu.memory_space<vmem>>
    %dma_start3A_126 = arith.constant 0 : i32
    %dma_start3A_127 = tpu.memref_slice %arg10[%dma_start3A_119, %dma_start3A_120, %dma_start3A_126] : memref<2x5x128xi32, #tpu.memory_space<vmem>> -> memref<1x1x128xi32, #tpu.memory_space<vmem>>
    %dma_start3A_128 = tpu.memref_squeeze %dma_start3A_127 : memref<1x1x128xi32, #tpu.memory_space<vmem>> -> memref<128xi32, #tpu.memory_space<vmem>>
    %dma_start3A_129 = arith.constant 0 : i32
    %dma_start3A_130 = arith.constant 0 : i32
    %dma_start3A_131 = tpu.memref_slice %arg3[%dma_start3A_129, %dma_start3A_130] : memref<100000x32xf32, #tpu.memory_space<hbm>> -> memref<100000x32xf32, #tpu.memory_space<hbm>>
    tpu.enqueue_indirect_dma source(%dma_start3A_131 : memref<100000x32xf32, #tpu.memory_space<hbm>>) target(%dma_start3A_125 : memref<128x32xf32, #tpu.memory_space<vmem>>) offsets(%dma_start3A_128 : memref<128xi32, #tpu.memory_space<vmem>>) semaphore(%arg12 : memref<!tpu.dma_semaphore, #tpu.memory_space<semaphore_mem>>)
    %dma_start3A_132 = arith.constant 0 : i32
    %dma_start3A_133 = arith.constant 3 : i32
    %dma_start3A_134 = arith.constant 0 : i32
    %dma_start3A_135 = arith.constant 384 : i32
    %dma_start3A_136 = arith.constant 0 : i32
    %dma_start3A_137 = tpu.memref_slice %arg11[%dma_start3A_134, %dma_start3A_135, %dma_start3A_136] : memref<2x640x32xf32, #tpu.memory_space<vmem>> -> memref<1x128x32xf32, #tpu.memory_space<vmem>>
    %dma_start3A_138 = tpu.memref_squeeze %dma_start3A_137 : memref<1x128x32xf32, #tpu.memory_space<vmem>> -> memref<128x32xf32, #tpu.memory_space<vmem>>
    %dma_start3A_139 = arith.constant 0 : i32
    %dma_start3A_140 = tpu.memref_slice %arg10[%dma_start3A_132, %dma_start3A_133, %dma_start3A_139] : memref<2x5x128xi32, #tpu.memory_space<vmem>> -> memref<1x1x128xi32, #tpu.memory_space<vmem>>
    %dma_start3A_141 = tpu.memref_squeeze %dma_start3A_140 : memref<1x1x128xi32, #tpu.memory_space<vmem>> -> memref<128xi32, #tpu.memory_space<vmem>>
    %dma_start3A_142 = arith.constant 0 : i32
    %dma_start3A_143 = arith.constant 0 : i32
    %dma_start3A_144 = tpu.memref_slice %arg3[%dma_start3A_142, %dma_start3A_143] : memref<100000x32xf32, #tpu.memory_space<hbm>> -> memref<100000x32xf32, #tpu.memory_space<hbm>>
    tpu.enqueue_indirect_dma source(%dma_start3A_144 : memref<100000x32xf32, #tpu.memory_space<hbm>>) target(%dma_start3A_138 : memref<128x32xf32, #tpu.memory_space<vmem>>) offsets(%dma_start3A_141 : memref<128xi32, #tpu.memory_space<vmem>>) semaphore(%arg12 : memref<!tpu.dma_semaphore, #tpu.memory_space<semaphore_mem>>)
    %dma_start3A_145 = arith.constant 0 : i32
    %dma_start3A_146 = arith.constant 4 : i32
    %dma_start3A_147 = arith.constant 0 : i32
    %dma_start3A_148 = arith.constant 512 : i32
    %dma_start3A_149 = arith.constant 0 : i32
    %dma_start3A_150 = tpu.memref_slice %arg11[%dma_start3A_147, %dma_start3A_148, %dma_start3A_149] : memref<2x640x32xf32, #tpu.memory_space<vmem>> -> memref<1x128x32xf32, #tpu.memory_space<vmem>>
    %dma_start3A_151 = tpu.memref_squeeze %dma_start3A_150 : memref<1x128x32xf32, #tpu.memory_space<vmem>> -> memref<128x32xf32, #tpu.memory_space<vmem>>
    %dma_start3A_152 = arith.constant 0 : i32
    %dma_start3A_153 = tpu.memref_slice %arg10[%dma_start3A_145, %dma_start3A_146, %dma_start3A_152] : memref<2x5x128xi32, #tpu.memory_space<vmem>> -> memref<1x1x128xi32, #tpu.memory_space<vmem>>
    %dma_start3A_154 = tpu.memref_squeeze %dma_start3A_153 : memref<1x1x128xi32, #tpu.memory_space<vmem>> -> memref<128xi32, #tpu.memory_space<vmem>>
    %dma_start3A_155 = arith.constant 0 : i32
    %dma_start3A_156 = arith.constant 0 : i32
    %dma_start3A_157 = tpu.memref_slice %arg3[%dma_start3A_155, %dma_start3A_156] : memref<100000x32xf32, #tpu.memory_space<hbm>> -> memref<100000x32xf32, #tpu.memory_space<hbm>>
    tpu.enqueue_indirect_dma source(%dma_start3A_157 : memref<100000x32xf32, #tpu.memory_space<hbm>>) target(%dma_start3A_151 : memref<128x32xf32, #tpu.memory_space<vmem>>) offsets(%dma_start3A_154 : memref<128xi32, #tpu.memory_space<vmem>>) semaphore(%arg12 : memref<!tpu.dma_semaphore, #tpu.memory_space<semaphore_mem>>)
    %scan3A_158 = arith.constant 0 : i32
    %scan3A_159 = arith.constant 0 : i32
    %scan3A_160 = arith.constant 8 : i32
    %scan3A_161 = arith.addi %scan3A_159, %scan3A_160 : i32
    %scan3A_162 = arith.constant 1 : i32
    scf.for %scan3A_194 = %scan3A_159 to %scan3A_161 step %scan3A_162  : i32 {
      %mul3A_195 = arith.constant 2 : i32
      %mul3A_196 = arith.muli %mul3A_195, %scan3A_194 : i32
      %gt3A = arith.constant 0 : i32
      %gt3A_197 = arith.cmpi sgt, %scan3A_194, %gt3A : i32
      %convert_element_type3A = arith.extui %gt3A_197 : i1 to i32
      %cond3A = arith.constant 0 : i32
      %cond3A_198 = arith.cmpi ne, %convert_element_type3A, %cond3A : i32
      scf.if %cond3A_198 {
        %mul3A_342 = arith.constant 128 : i32
        %mul3A_343 = arith.muli %mul3A_2, %mul3A_342 : i32
        %dma_wait3A_344 = arith.constant 1 : i32
        %dma_wait3A_345 = arith.constant 0 : i32
        %dma_wait3A_346 = arith.constant 0 : i32
        %dma_wait3A_347 = tpu.memref_slice %arg11[%dma_wait3A_344, %dma_wait3A_345, %dma_wait3A_346] : memref<2x640x32xf32, #tpu.memory_space<vmem>> -> memref<1x640x32xf32, #tpu.memory_space<vmem>>
        %dma_wait3A_348 = tpu.memref_squeeze %dma_wait3A_347 : memref<1x640x32xf32, #tpu.memory_space<vmem>> -> memref<640x32xf32, #tpu.memory_space<vmem>>
        %dma_wait3A_349 = arith.constant 0 : i32
        %dma_wait3A_350 = tpu.memref_slice %arg7[%mul3A_343, %dma_wait3A_349] : memref<327680x32xf32, #tpu.memory_space<hbm>> -> memref<640x32xf32, #tpu.memory_space<hbm>>
        %dma_wait3A_351 = arith.constant 0 : i32
        %dma_wait3A_352 = arith.constant 0 : i32
        %dma_wait3A_353 = tpu.memref_slice %arg11[%dma_wait3A_344, %dma_wait3A_351, %dma_wait3A_352] : memref<2x640x32xf32, #tpu.memory_space<vmem>> -> memref<1x640x32xf32, #tpu.memory_space<vmem>>
        %dma_wait3A_354 = tpu.memref_squeeze %dma_wait3A_353 : memref<1x640x32xf32, #tpu.memory_space<vmem>> -> memref<640x32xf32, #tpu.memory_space<vmem>>
        %dma_wait3A_355 = arith.constant 0 : i32
        %dma_wait3A_356 = tpu.memref_slice %arg7[%mul3A_343, %dma_wait3A_355] : memref<327680x32xf32, #tpu.memory_space<hbm>> -> memref<640x32xf32, #tpu.memory_space<hbm>>
        tpu.wait_dma2 semaphore(%arg15 : memref<!tpu.dma_semaphore, #tpu.memory_space<semaphore_mem>>) src(%dma_wait3A_356 : memref<640x32xf32, #tpu.memory_space<hbm>>) dst(%dma_wait3A_354 : memref<640x32xf32, #tpu.memory_space<vmem>>)
      } else {
      }
      %add3A_199 = arith.constant 1 : i32
      %add3A_200 = arith.addi %mul3A_196, %add3A_199 : i32
      %mul3A_201 = arith.constant 5 : i32
      %mul3A_202 = arith.muli %add3A_200, %mul3A_201 : i32
      %add3A_203 = arith.addi %mul3A_2, %mul3A_202 : i32
      %run_scoped3A_204 = arith.constant 1 : i32
      "tpu.region"() ({
        %run_scoped3A_342 = tpu.sem_alloc : memref<!tpu.dma_semaphore, #tpu.memory_space<semaphore_mem>>
        %dma_start3A_343 = arith.constant 0 : i32
        %dma_start3A_344 = arith.constant 0 : i32
        %dma_start3A_345 = tpu.memref_slice %arg10[%run_scoped3A_204, %dma_start3A_343, %dma_start3A_344] : memref<2x5x128xi32, #tpu.memory_space<vmem>> -> memref<1x5x128xi32, #tpu.memory_space<vmem>>
        %dma_start3A_346 = tpu.memref_squeeze %dma_start3A_345 : memref<1x5x128xi32, #tpu.memory_space<vmem>> -> memref<5x128xi32, #tpu.memory_space<vmem>>
        %dma_start3A_347 = arith.constant 0 : i32
        %dma_start3A_348 = tpu.memref_slice %arg5[%add3A_203, %dma_start3A_347] : memref<2560x128xi32, #tpu.memory_space<hbm>> -> memref<5x128xi32, #tpu.memory_space<hbm>>
        %dma_start3A_349 = arith.constant 0 : i32
        %dma_start3A_350 = arith.constant 0 : i32
        %dma_start3A_351 = tpu.memref_slice %arg10[%run_scoped3A_204, %dma_start3A_349, %dma_start3A_350] : memref<2x5x128xi32, #tpu.memory_space<vmem>> -> memref<1x5x128xi32, #tpu.memory_space<vmem>>
        %dma_start3A_352 = tpu.memref_squeeze %dma_start3A_351 : memref<1x5x128xi32, #tpu.memory_space<vmem>> -> memref<5x128xi32, #tpu.memory_space<vmem>>
        %dma_start3A_353 = arith.constant 0 : i32
        %dma_start3A_354 = tpu.memref_slice %arg5[%add3A_203, %dma_start3A_353] : memref<2560x128xi32, #tpu.memory_space<hbm>> -> memref<5x128xi32, #tpu.memory_space<hbm>>
        tpu.enqueue_dma source(%dma_start3A_354 : memref<5x128xi32, #tpu.memory_space<hbm>>) target(%dma_start3A_352 : memref<5x128xi32, #tpu.memory_space<vmem>>) target_semaphore(%run_scoped3A_342 : memref<!tpu.dma_semaphore, #tpu.memory_space<semaphore_mem>>)
        %dma_wait3A_355 = arith.constant 0 : i32
        %dma_wait3A_356 = arith.constant 0 : i32
        %dma_wait3A_357 = tpu.memref_slice %arg10[%run_scoped3A_204, %dma_wait3A_355, %dma_wait3A_356] : memref<2x5x128xi32, #tpu.memory_space<vmem>> -> memref<1x5x128xi32, #tpu.memory_space<vmem>>
        %dma_wait3A_358 = tpu.memref_squeeze %dma_wait3A_357 : memref<1x5x128xi32, #tpu.memory_space<vmem>> -> memref<5x128xi32, #tpu.memory_space<vmem>>
        %dma_wait3A_359 = arith.constant 0 : i32
        %dma_wait3A_360 = tpu.memref_slice %arg5[%add3A_203, %dma_wait3A_359] : memref<2560x128xi32, #tpu.memory_space<hbm>> -> memref<5x128xi32, #tpu.memory_space<hbm>>
        %dma_wait3A_361 = arith.constant 0 : i32
        %dma_wait3A_362 = arith.constant 0 : i32
        %dma_wait3A_363 = tpu.memref_slice %arg10[%run_scoped3A_204, %dma_wait3A_361, %dma_wait3A_362] : memref<2x5x128xi32, #tpu.memory_space<vmem>> -> memref<1x5x128xi32, #tpu.memory_space<vmem>>
        %dma_wait3A_364 = tpu.memref_squeeze %dma_wait3A_363 : memref<1x5x128xi32, #tpu.memory_space<vmem>> -> memref<5x128xi32, #tpu.memory_space<vmem>>
        %dma_wait3A_365 = arith.constant 0 : i32
        %dma_wait3A_366 = tpu.memref_slice %arg5[%add3A_203, %dma_wait3A_365] : memref<2560x128xi32, #tpu.memory_space<hbm>> -> memref<5x128xi32, #tpu.memory_space<hbm>>
        tpu.wait_dma2 semaphore(%run_scoped3A_342 : memref<!tpu.dma_semaphore, #tpu.memory_space<semaphore_mem>>) src(%dma_wait3A_366 : memref<5x128xi32, #tpu.memory_space<hbm>>) dst(%dma_wait3A_364 : memref<5x128xi32, #tpu.memory_space<vmem>>)
        tpu.yield
      }) : () -> ()
      %dma_start3A_205 = arith.constant 1 : i32
      %dma_start3A_206 = arith.constant 0 : i32
      %dma_start3A_207 = arith.constant 1 : i32
      %dma_start3A_208 = arith.constant 0 : i32
      %dma_start3A_209 = arith.constant 0 : i32
      %dma_start3A_210 = tpu.memref_slice %arg11[%dma_start3A_207, %dma_start3A_208, %dma_start3A_209] : memref<2x640x32xf32, #tpu.memory_space<vmem>> -> memref<1x128x32xf32, #tpu.memory_space<vmem>>
      %dma_start3A_211 = tpu.memref_squeeze %dma_start3A_210 : memref<1x128x32xf32, #tpu.memory_space<vmem>> -> memref<128x32xf32, #tpu.memory_space<vmem>>
      %dma_start3A_212 = arith.constant 0 : i32
      %dma_start3A_213 = tpu.memref_slice %arg10[%dma_start3A_205, %dma_start3A_206, %dma_start3A_212] : memref<2x5x128xi32, #tpu.memory_space<vmem>> -> memref<1x1x128xi32, #tpu.memory_space<vmem>>
      %dma_start3A_214 = tpu.memref_squeeze %dma_start3A_213 : memref<1x1x128xi32, #tpu.memory_space<vmem>> -> memref<128xi32, #tpu.memory_space<vmem>>
      %dma_start3A_215 = arith.constant 0 : i32
      %dma_start3A_216 = arith.constant 0 : i32
      %dma_start3A_217 = tpu.memref_slice %arg3[%dma_start3A_215, %dma_start3A_216] : memref<100000x32xf32, #tpu.memory_space<hbm>> -> memref<100000x32xf32, #tpu.memory_space<hbm>>
      tpu.enqueue_indirect_dma source(%dma_start3A_217 : memref<100000x32xf32, #tpu.memory_space<hbm>>) target(%dma_start3A_211 : memref<128x32xf32, #tpu.memory_space<vmem>>) offsets(%dma_start3A_214 : memref<128xi32, #tpu.memory_space<vmem>>) semaphore(%arg13 : memref<!tpu.dma_semaphore, #tpu.memory_space<semaphore_mem>>)
      %dma_start3A_218 = arith.constant 1 : i32
      %dma_start3A_219 = arith.constant 1 : i32
      %dma_start3A_220 = arith.constant 1 : i32
      %dma_start3A_221 = arith.constant 128 : i32
      %dma_start3A_222 = arith.constant 0 : i32
      %dma_start3A_223 = tpu.memref_slice %arg11[%dma_start3A_220, %dma_start3A_221, %dma_start3A_222] : memref<2x640x32xf32, #tpu.memory_space<vmem>> -> memref<1x128x32xf32, #tpu.memory_space<vmem>>
      %dma_start3A_224 = tpu.memref_squeeze %dma_start3A_223 : memref<1x128x32xf32, #tpu.memory_space<vmem>> -> memref<128x32xf32, #tpu.memory_space<vmem>>
      %dma_start3A_225 = arith.constant 0 : i32
      %dma_start3A_226 = tpu.memref_slice %arg10[%dma_start3A_218, %dma_start3A_219, %dma_start3A_225] : memref<2x5x128xi32, #tpu.memory_space<vmem>> -> memref<1x1x128xi32, #tpu.memory_space<vmem>>
      %dma_start3A_227 = tpu.memref_squeeze %dma_start3A_226 : memref<1x1x128xi32, #tpu.memory_space<vmem>> -> memref<128xi32, #tpu.memory_space<vmem>>
      %dma_start3A_228 = arith.constant 0 : i32
      %dma_start3A_229 = arith.constant 0 : i32
      %dma_start3A_230 = tpu.memref_slice %arg3[%dma_start3A_228, %dma_start3A_229] : memref<100000x32xf32, #tpu.memory_space<hbm>> -> memref<100000x32xf32, #tpu.memory_space<hbm>>
      tpu.enqueue_indirect_dma source(%dma_start3A_230 : memref<100000x32xf32, #tpu.memory_space<hbm>>) target(%dma_start3A_224 : memref<128x32xf32, #tpu.memory_space<vmem>>) offsets(%dma_start3A_227 : memref<128xi32, #tpu.memory_space<vmem>>) semaphore(%arg13 : memref<!tpu.dma_semaphore, #tpu.memory_space<semaphore_mem>>)
      %dma_start3A_231 = arith.constant 1 : i32
      %dma_start3A_232 = arith.constant 2 : i32
      %dma_start3A_233 = arith.constant 1 : i32
      %dma_start3A_234 = arith.constant 256 : i32
      %dma_start3A_235 = arith.constant 0 : i32
      %dma_start3A_236 = tpu.memref_slice %arg11[%dma_start3A_233, %dma_start3A_234, %dma_start3A_235] : memref<2x640x32xf32, #tpu.memory_space<vmem>> -> memref<1x128x32xf32, #tpu.memory_space<vmem>>
      %dma_start3A_237 = tpu.memref_squeeze %dma_start3A_236 : memref<1x128x32xf32, #tpu.memory_space<vmem>> -> memref<128x32xf32, #tpu.memory_space<vmem>>
      %dma_start3A_238 = arith.constant 0 : i32
      %dma_start3A_239 = tpu.memref_slice %arg10[%dma_start3A_231, %dma_start3A_232, %dma_start3A_238] : memref<2x5x128xi32, #tpu.memory_space<vmem>> -> memref<1x1x128xi32, #tpu.memory_space<vmem>>
      %dma_start3A_240 = tpu.memref_squeeze %dma_start3A_239 : memref<1x1x128xi32, #tpu.memory_space<vmem>> -> memref<128xi32, #tpu.memory_space<vmem>>
      %dma_start3A_241 = arith.constant 0 : i32
      %dma_start3A_242 = arith.constant 0 : i32
      %dma_start3A_243 = tpu.memref_slice %arg3[%dma_start3A_241, %dma_start3A_242] : memref<100000x32xf32, #tpu.memory_space<hbm>> -> memref<100000x32xf32, #tpu.memory_space<hbm>>
      tpu.enqueue_indirect_dma source(%dma_start3A_243 : memref<100000x32xf32, #tpu.memory_space<hbm>>) target(%dma_start3A_237 : memref<128x32xf32, #tpu.memory_space<vmem>>) offsets(%dma_start3A_240 : memref<128xi32, #tpu.memory_space<vmem>>) semaphore(%arg13 : memref<!tpu.dma_semaphore, #tpu.memory_space<semaphore_mem>>)
      %dma_start3A_244 = arith.constant 1 : i32
      %dma_start3A_245 = arith.constant 3 : i32
      %dma_start3A_246 = arith.constant 1 : i32
      %dma_start3A_247 = arith.constant 384 : i32
      %dma_start3A_248 = arith.constant 0 : i32
      %dma_start3A_249 = tpu.memref_slice %arg11[%dma_start3A_246, %dma_start3A_247, %dma_start3A_248] : memref<2x640x32xf32, #tpu.memory_space<vmem>> -> memref<1x128x32xf32, #tpu.memory_space<vmem>>
      %dma_start3A_250 = tpu.memref_squeeze %dma_start3A_249 : memref<1x128x32xf32, #tpu.memory_space<vmem>> -> memref<128x32xf32, #tpu.memory_space<vmem>>
      %dma_start3A_251 = arith.constant 0 : i32
      %dma_start3A_252 = tpu.memref_slice %arg10[%dma_start3A_244, %dma_start3A_245, %dma_start3A_251] : memref<2x5x128xi32, #tpu.memory_space<vmem>> -> memref<1x1x128xi32, #tpu.memory_space<vmem>>
      %dma_start3A_253 = tpu.memref_squeeze %dma_start3A_252 : memref<1x1x128xi32, #tpu.memory_space<vmem>> -> memref<128xi32, #tpu.memory_space<vmem>>
      %dma_start3A_254 = arith.constant 0 : i32
      %dma_start3A_255 = arith.constant 0 : i32
      %dma_start3A_256 = tpu.memref_slice %arg3[%dma_start3A_254, %dma_start3A_255] : memref<100000x32xf32, #tpu.memory_space<hbm>> -> memref<100000x32xf32, #tpu.memory_space<hbm>>
      tpu.enqueue_indirect_dma source(%dma_start3A_256 : memref<100000x32xf32, #tpu.memory_space<hbm>>) target(%dma_start3A_250 : memref<128x32xf32, #tpu.memory_space<vmem>>) offsets(%dma_start3A_253 : memref<128xi32, #tpu.memory_space<vmem>>) semaphore(%arg13 : memref<!tpu.dma_semaphore, #tpu.memory_space<semaphore_mem>>)
      %dma_start3A_257 = arith.constant 1 : i32
      %dma_start3A_258 = arith.constant 4 : i32
      %dma_start3A_259 = arith.constant 1 : i32
      %dma_start3A_260 = arith.constant 512 : i32
      %dma_start3A_261 = arith.constant 0 : i32
      %dma_start3A_262 = tpu.memref_slice %arg11[%dma_start3A_259, %dma_start3A_260, %dma_start3A_261] : memref<2x640x32xf32, #tpu.memory_space<vmem>> -> memref<1x128x32xf32, #tpu.memory_space<vmem>>
      %dma_start3A_263 = tpu.memref_squeeze %dma_start3A_262 : memref<1x128x32xf32, #tpu.memory_space<vmem>> -> memref<128x32xf32, #tpu.memory_space<vmem>>
      %dma_start3A_264 = arith.constant 0 : i32
      %dma_start3A_265 = tpu.memref_slice %arg10[%dma_start3A_257, %dma_start3A_258, %dma_start3A_264] : memref<2x5x128xi32, #tpu.memory_space<vmem>> -> memref<1x1x128xi32, #tpu.memory_space<vmem>>
      %dma_start3A_266 = tpu.memref_squeeze %dma_start3A_265 : memref<1x1x128xi32, #tpu.memory_space<vmem>> -> memref<128xi32, #tpu.memory_space<vmem>>
      %dma_start3A_267 = arith.constant 0 : i32
      %dma_start3A_268 = arith.constant 0 : i32
      %dma_start3A_269 = tpu.memref_slice %arg3[%dma_start3A_267, %dma_start3A_268] : memref<100000x32xf32, #tpu.memory_space<hbm>> -> memref<100000x32xf32, #tpu.memory_space<hbm>>
      tpu.enqueue_indirect_dma source(%dma_start3A_269 : memref<100000x32xf32, #tpu.memory_space<hbm>>) target(%dma_start3A_263 : memref<128x32xf32, #tpu.memory_space<vmem>>) offsets(%dma_start3A_266 : memref<128xi32, #tpu.memory_space<vmem>>) semaphore(%arg13 : memref<!tpu.dma_semaphore, #tpu.memory_space<semaphore_mem>>)
      %mul3A_270 = arith.constant 128 : i32
      %mul3A_271 = arith.muli %mul3A_2, %mul3A_270 : i32
      %dma_wait3A_272 = arith.constant 0 : i32
      %dma_wait3A_273 = arith.constant 0 : i32
      %dma_wait3A_274 = arith.constant 0 : i32
      %dma_wait3A_275 = tpu.memref_slice %arg11[%dma_wait3A_272, %dma_wait3A_273, %dma_wait3A_274] : memref<2x640x32xf32, #tpu.memory_space<vmem>> -> memref<1x640x32xf32, #tpu.memory_space<vmem>>
      %dma_wait3A_276 = tpu.memref_squeeze %dma_wait3A_275 : memref<1x640x32xf32, #tpu.memory_space<vmem>> -> memref<640x32xf32, #tpu.memory_space<vmem>>
      %dma_wait3A_277 = arith.constant 0 : i32
      %dma_wait3A_278 = tpu.memref_slice %arg7[%mul3A_271, %dma_wait3A_277] : memref<327680x32xf32, #tpu.memory_space<hbm>> -> memref<640x32xf32, #tpu.memory_space<hbm>>
      %dma_wait3A_279 = arith.constant 0 : i32
      %dma_wait3A_280 = arith.constant 0 : i32
      %dma_wait3A_281 = tpu.memref_slice %arg11[%dma_wait3A_272, %dma_wait3A_279, %dma_wait3A_280] : memref<2x640x32xf32, #tpu.memory_space<vmem>> -> memref<1x640x32xf32, #tpu.memory_space<vmem>>
      %dma_wait3A_282 = tpu.memref_squeeze %dma_wait3A_281 : memref<1x640x32xf32, #tpu.memory_space<vmem>> -> memref<640x32xf32, #tpu.memory_space<vmem>>
      %dma_wait3A_283 = arith.constant 0 : i32
      %dma_wait3A_284 = tpu.memref_slice %arg7[%mul3A_271, %dma_wait3A_283] : memref<327680x32xf32, #tpu.memory_space<hbm>> -> memref<640x32xf32, #tpu.memory_space<hbm>>
      tpu.wait_dma2 semaphore(%arg12 : memref<!tpu.dma_semaphore, #tpu.memory_space<semaphore_mem>>) src(%dma_wait3A_284 : memref<640x32xf32, #tpu.memory_space<hbm>>) dst(%dma_wait3A_282 : memref<640x32xf32, #tpu.memory_space<vmem>>)
      %mul3A_285 = arith.constant 5 : i32
      %mul3A_286 = arith.muli %mul3A_196, %mul3A_285 : i32
      %add3A_287 = arith.addi %mul3A_2, %mul3A_286 : i32
      %mul3A_288 = arith.constant 128 : i32
      %mul3A_289 = arith.muli %add3A_287, %mul3A_288 : i32
      %dma_start3A_290 = arith.constant 0 : i32
      %dma_start3A_291 = arith.constant 0 : i32
      %dma_start3A_292 = arith.constant 0 : i32
      %dma_start3A_293 = tpu.memref_slice %arg11[%dma_start3A_290, %dma_start3A_291, %dma_start3A_292] : memref<2x640x32xf32, #tpu.memory_space<vmem>> -> memref<1x640x32xf32, #tpu.memory_space<vmem>>
      %dma_start3A_294 = tpu.memref_squeeze %dma_start3A_293 : memref<1x640x32xf32, #tpu.memory_space<vmem>> -> memref<640x32xf32, #tpu.memory_space<vmem>>
      %dma_start3A_295 = arith.constant 0 : i32
      %dma_start3A_296 = tpu.memref_slice %arg7[%mul3A_289, %dma_start3A_295] : memref<327680x32xf32, #tpu.memory_space<hbm>> -> memref<640x32xf32, #tpu.memory_space<hbm>>
      %dma_start3A_297 = arith.constant 0 : i32
      %dma_start3A_298 = tpu.memref_slice %arg7[%mul3A_289, %dma_start3A_297] : memref<327680x32xf32, #tpu.memory_space<hbm>> -> memref<640x32xf32, #tpu.memory_space<hbm>>
      %dma_start3A_299 = arith.constant 0 : i32
      %dma_start3A_300 = arith.constant 0 : i32
      %dma_start3A_301 = tpu.memref_slice %arg11[%dma_start3A_290, %dma_start3A_299, %dma_start3A_300] : memref<2x640x32xf32, #tpu.memory_space<vmem>> -> memref<1x640x32xf32, #tpu.memory_space<vmem>>
      %dma_start3A_302 = tpu.memref_squeeze %dma_start3A_301 : memref<1x640x32xf32, #tpu.memory_space<vmem>> -> memref<640x32xf32, #tpu.memory_space<vmem>>
      tpu.enqueue_dma source(%dma_start3A_302 : memref<640x32xf32, #tpu.memory_space<vmem>>) target(%dma_start3A_298 : memref<640x32xf32, #tpu.memory_space<hbm>>) target_semaphore(%arg14 : memref<!tpu.dma_semaphore, #tpu.memory_space<semaphore_mem>>)
      %lt3A = arith.constant 7 : i32
      %lt3A_303 = arith.cmpi slt, %scan3A_194, %lt3A : i32
      %convert_element_type3A_304 = arith.extui %lt3A_303 : i1 to i32
      %cond3A_305 = arith.constant 0 : i32
      %cond3A_306 = arith.cmpi ne, %convert_element_type3A_304, %cond3A_305 : i32
      scf.if %cond3A_306 {
        %mul3A_342 = arith.constant 128 : i32
        %mul3A_343 = arith.muli %mul3A_2, %mul3A_342 : i32
        %dma_wait3A_344 = arith.constant 0 : i32
        %dma_wait3A_345 = arith.constant 0 : i32
        %dma_wait3A_346 = arith.constant 0 : i32
        %dma_wait3A_347 = tpu.memref_slice %arg11[%dma_wait3A_344, %dma_wait3A_345, %dma_wait3A_346] : memref<2x640x32xf32, #tpu.memory_space<vmem>> -> memref<1x640x32xf32, #tpu.memory_space<vmem>>
        %dma_wait3A_348 = tpu.memref_squeeze %dma_wait3A_347 : memref<1x640x32xf32, #tpu.memory_space<vmem>> -> memref<640x32xf32, #tpu.memory_space<vmem>>
        %dma_wait3A_349 = arith.constant 0 : i32
        %dma_wait3A_350 = tpu.memref_slice %arg7[%mul3A_343, %dma_wait3A_349] : memref<327680x32xf32, #tpu.memory_space<hbm>> -> memref<640x32xf32, #tpu.memory_space<hbm>>
        %dma_wait3A_351 = arith.constant 0 : i32
        %dma_wait3A_352 = arith.constant 0 : i32
        %dma_wait3A_353 = tpu.memref_slice %arg11[%dma_wait3A_344, %dma_wait3A_351, %dma_wait3A_352] : memref<2x640x32xf32, #tpu.memory_space<vmem>> -> memref<1x640x32xf32, #tpu.memory_space<vmem>>
        %dma_wait3A_354 = tpu.memref_squeeze %dma_wait3A_353 : memref<1x640x32xf32, #tpu.memory_space<vmem>> -> memref<640x32xf32, #tpu.memory_space<vmem>>
        %dma_wait3A_355 = arith.constant 0 : i32
        %dma_wait3A_356 = tpu.memref_slice %arg7[%mul3A_343, %dma_wait3A_355] : memref<327680x32xf32, #tpu.memory_space<hbm>> -> memref<640x32xf32, #tpu.memory_space<hbm>>
        tpu.wait_dma2 semaphore(%arg14 : memref<!tpu.dma_semaphore, #tpu.memory_space<semaphore_mem>>) src(%dma_wait3A_356 : memref<640x32xf32, #tpu.memory_space<hbm>>) dst(%dma_wait3A_354 : memref<640x32xf32, #tpu.memory_space<vmem>>)
        %add3A_357 = arith.constant 2 : i32
        %add3A_358 = arith.addi %mul3A_196, %add3A_357 : i32
        %mul3A_359 = arith.constant 5 : i32
        %mul3A_360 = arith.muli %add3A_358, %mul3A_359 : i32
        %add3A_361 = arith.addi %mul3A_2, %mul3A_360 : i32
        %run_scoped3A_362 = arith.constant 0 : i32
        "tpu.region"() ({
          %run_scoped3A_428 = tpu.sem_alloc : memref<!tpu.dma_semaphore, #tpu.memory_space<semaphore_mem>>
          %dma_start3A_429 = arith.constant 0 : i32
          %dma_start3A_430 = arith.constant 0 : i32
          %dma_start3A_431 = tpu.memref_slice %arg10[%run_scoped3A_362, %dma_start3A_429, %dma_start3A_430] : memref<2x5x128xi32, #tpu.memory_space<vmem>> -> memref<1x5x128xi32, #tpu.memory_space<vmem>>
          %dma_start3A_432 = tpu.memref_squeeze %dma_start3A_431 : memref<1x5x128xi32, #tpu.memory_space<vmem>> -> memref<5x128xi32, #tpu.memory_space<vmem>>
          %dma_start3A_433 = arith.constant 0 : i32
          %dma_start3A_434 = tpu.memref_slice %arg5[%add3A_361, %dma_start3A_433] : memref<2560x128xi32, #tpu.memory_space<hbm>> -> memref<5x128xi32, #tpu.memory_space<hbm>>
          %dma_start3A_435 = arith.constant 0 : i32
          %dma_start3A_436 = arith.constant 0 : i32
          %dma_start3A_437 = tpu.memref_slice %arg10[%run_scoped3A_362, %dma_start3A_435, %dma_start3A_436] : memref<2x5x128xi32, #tpu.memory_space<vmem>> -> memref<1x5x128xi32, #tpu.memory_space<vmem>>
          %dma_start3A_438 = tpu.memref_squeeze %dma_start3A_437 : memref<1x5x128xi32, #tpu.memory_space<vmem>> -> memref<5x128xi32, #tpu.memory_space<vmem>>
          %dma_start3A_439 = arith.constant 0 : i32
          %dma_start3A_440 = tpu.memref_slice %arg5[%add3A_361, %dma_start3A_439] : memref<2560x128xi32, #tpu.memory_space<hbm>> -> memref<5x128xi32, #tpu.memory_space<hbm>>
          tpu.enqueue_dma source(%dma_start3A_440 : memref<5x128xi32, #tpu.memory_space<hbm>>) target(%dma_start3A_438 : memref<5x128xi32, #tpu.memory_space<vmem>>) target_semaphore(%run_scoped3A_428 : memref<!tpu.dma_semaphore, #tpu.memory_space<semaphore_mem>>)
          %dma_wait3A_441 = arith.constant 0 : i32
          %dma_wait3A_442 = arith.constant 0 : i32
          %dma_wait3A_443 = tpu.memref_slice %arg10[%run_scoped3A_362, %dma_wait3A_441, %dma_wait3A_442] : memref<2x5x128xi32, #tpu.memory_space<vmem>> -> memref<1x5x128xi32, #tpu.memory_space<vmem>>
          %dma_wait3A_444 = tpu.memref_squeeze %dma_wait3A_443 : memref<1x5x128xi32, #tpu.memory_space<vmem>> -> memref<5x128xi32, #tpu.memory_space<vmem>>
          %dma_wait3A_445 = arith.constant 0 : i32
          %dma_wait3A_446 = tpu.memref_slice %arg5[%add3A_361, %dma_wait3A_445] : memref<2560x128xi32, #tpu.memory_space<hbm>> -> memref<5x128xi32, #tpu.memory_space<hbm>>
          %dma_wait3A_447 = arith.constant 0 : i32
          %dma_wait3A_448 = arith.constant 0 : i32
          %dma_wait3A_449 = tpu.memref_slice %arg10[%run_scoped3A_362, %dma_wait3A_447, %dma_wait3A_448] : memref<2x5x128xi32, #tpu.memory_space<vmem>> -> memref<1x5x128xi32, #tpu.memory_space<vmem>>
          %dma_wait3A_450 = tpu.memref_squeeze %dma_wait3A_449 : memref<1x5x128xi32, #tpu.memory_space<vmem>> -> memref<5x128xi32, #tpu.memory_space<vmem>>
          %dma_wait3A_451 = arith.constant 0 : i32
          %dma_wait3A_452 = tpu.memref_slice %arg5[%add3A_361, %dma_wait3A_451] : memref<2560x128xi32, #tpu.memory_space<hbm>> -> memref<5x128xi32, #tpu.memory_space<hbm>>
          tpu.wait_dma2 semaphore(%run_scoped3A_428 : memref<!tpu.dma_semaphore, #tpu.memory_space<semaphore_mem>>) src(%dma_wait3A_452 : memref<5x128xi32, #tpu.memory_space<hbm>>) dst(%dma_wait3A_450 : memref<5x128xi32, #tpu.memory_space<vmem>>)
          tpu.yield
        }) : () -> ()
        %dma_start3A_363 = arith.constant 0 : i32
        %dma_start3A_364 = arith.constant 0 : i32
        %dma_start3A_365 = arith.constant 0 : i32
        %dma_start3A_366 = arith.constant 0 : i32
        %dma_start3A_367 = arith.constant 0 : i32
        %dma_start3A_368 = tpu.memref_slice %arg11[%dma_start3A_365, %dma_start3A_366, %dma_start3A_367] : memref<2x640x32xf32, #tpu.memory_space<vmem>> -> memref<1x128x32xf32, #tpu.memory_space<vmem>>
        %dma_start3A_369 = tpu.memref_squeeze %dma_start3A_368 : memref<1x128x32xf32, #tpu.memory_space<vmem>> -> memref<128x32xf32, #tpu.memory_space<vmem>>
        %dma_start3A_370 = arith.constant 0 : i32
        %dma_start3A_371 = tpu.memref_slice %arg10[%dma_start3A_363, %dma_start3A_364, %dma_start3A_370] : memref<2x5x128xi32, #tpu.memory_space<vmem>> -> memref<1x1x128xi32, #tpu.memory_space<vmem>>
        %dma_start3A_372 = tpu.memref_squeeze %dma_start3A_371 : memref<1x1x128xi32, #tpu.memory_space<vmem>> -> memref<128xi32, #tpu.memory_space<vmem>>
        %dma_start3A_373 = arith.constant 0 : i32
        %dma_start3A_374 = arith.constant 0 : i32
        %dma_start3A_375 = tpu.memref_slice %arg3[%dma_start3A_373, %dma_start3A_374] : memref<100000x32xf32, #tpu.memory_space<hbm>> -> memref<100000x32xf32, #tpu.memory_space<hbm>>
        tpu.enqueue_indirect_dma source(%dma_start3A_375 : memref<100000x32xf32, #tpu.memory_space<hbm>>) target(%dma_start3A_369 : memref<128x32xf32, #tpu.memory_space<vmem>>) offsets(%dma_start3A_372 : memref<128xi32, #tpu.memory_space<vmem>>) semaphore(%arg12 : memref<!tpu.dma_semaphore, #tpu.memory_space<semaphore_mem>>)
        %dma_start3A_376 = arith.constant 0 : i32
        %dma_start3A_377 = arith.constant 1 : i32
        %dma_start3A_378 = arith.constant 0 : i32
        %dma_start3A_379 = arith.constant 128 : i32
        %dma_start3A_380 = arith.constant 0 : i32
        %dma_start3A_381 = tpu.memref_slice %arg11[%dma_start3A_378, %dma_start3A_379, %dma_start3A_380] : memref<2x640x32xf32, #tpu.memory_space<vmem>> -> memref<1x128x32xf32, #tpu.memory_space<vmem>>
        %dma_start3A_382 = tpu.memref_squeeze %dma_start3A_381 : memref<1x128x32xf32, #tpu.memory_space<vmem>> -> memref<128x32xf32, #tpu.memory_space<vmem>>
        %dma_start3A_383 = arith.constant 0 : i32
        %dma_start3A_384 = tpu.memref_slice %arg10[%dma_start3A_376, %dma_start3A_377, %dma_start3A_383] : memref<2x5x128xi32, #tpu.memory_space<vmem>> -> memref<1x1x128xi32, #tpu.memory_space<vmem>>
        %dma_start3A_385 = tpu.memref_squeeze %dma_start3A_384 : memref<1x1x128xi32, #tpu.memory_space<vmem>> -> memref<128xi32, #tpu.memory_space<vmem>>
        %dma_start3A_386 = arith.constant 0 : i32
        %dma_start3A_387 = arith.constant 0 : i32
        %dma_start3A_388 = tpu.memref_slice %arg3[%dma_start3A_386, %dma_start3A_387] : memref<100000x32xf32, #tpu.memory_space<hbm>> -> memref<100000x32xf32, #tpu.memory_space<hbm>>
        tpu.enqueue_indirect_dma source(%dma_start3A_388 : memref<100000x32xf32, #tpu.memory_space<hbm>>) target(%dma_start3A_382 : memref<128x32xf32, #tpu.memory_space<vmem>>) offsets(%dma_start3A_385 : memref<128xi32, #tpu.memory_space<vmem>>) semaphore(%arg12 : memref<!tpu.dma_semaphore, #tpu.memory_space<semaphore_mem>>)
        %dma_start3A_389 = arith.constant 0 : i32
        %dma_start3A_390 = arith.constant 2 : i32
        %dma_start3A_391 = arith.constant 0 : i32
        %dma_start3A_392 = arith.constant 256 : i32
        %dma_start3A_393 = arith.constant 0 : i32
        %dma_start3A_394 = tpu.memref_slice %arg11[%dma_start3A_391, %dma_start3A_392, %dma_start3A_393] : memref<2x640x32xf32, #tpu.memory_space<vmem>> -> memref<1x128x32xf32, #tpu.memory_space<vmem>>
        %dma_start3A_395 = tpu.memref_squeeze %dma_start3A_394 : memref<1x128x32xf32, #tpu.memory_space<vmem>> -> memref<128x32xf32, #tpu.memory_space<vmem>>
        %dma_start3A_396 = arith.constant 0 : i32
        %dma_start3A_397 = tpu.memref_slice %arg10[%dma_start3A_389, %dma_start3A_390, %dma_start3A_396] : memref<2x5x128xi32, #tpu.memory_space<vmem>> -> memref<1x1x128xi32, #tpu.memory_space<vmem>>
        %dma_start3A_398 = tpu.memref_squeeze %dma_start3A_397 : memref<1x1x128xi32, #tpu.memory_space<vmem>> -> memref<128xi32, #tpu.memory_space<vmem>>
        %dma_start3A_399 = arith.constant 0 : i32
        %dma_start3A_400 = arith.constant 0 : i32
        %dma_start3A_401 = tpu.memref_slice %arg3[%dma_start3A_399, %dma_start3A_400] : memref<100000x32xf32, #tpu.memory_space<hbm>> -> memref<100000x32xf32, #tpu.memory_space<hbm>>
        tpu.enqueue_indirect_dma source(%dma_start3A_401 : memref<100000x32xf32, #tpu.memory_space<hbm>>) target(%dma_start3A_395 : memref<128x32xf32, #tpu.memory_space<vmem>>) offsets(%dma_start3A_398 : memref<128xi32, #tpu.memory_space<vmem>>) semaphore(%arg12 : memref<!tpu.dma_semaphore, #tpu.memory_space<semaphore_mem>>)
        %dma_start3A_402 = arith.constant 0 : i32
        %dma_start3A_403 = arith.constant 3 : i32
        %dma_start3A_404 = arith.constant 0 : i32
        %dma_start3A_405 = arith.constant 384 : i32
        %dma_start3A_406 = arith.constant 0 : i32
        %dma_start3A_407 = tpu.memref_slice %arg11[%dma_start3A_404, %dma_start3A_405, %dma_start3A_406] : memref<2x640x32xf32, #tpu.memory_space<vmem>> -> memref<1x128x32xf32, #tpu.memory_space<vmem>>
        %dma_start3A_408 = tpu.memref_squeeze %dma_start3A_407 : memref<1x128x32xf32, #tpu.memory_space<vmem>> -> memref<128x32xf32, #tpu.memory_space<vmem>>
        %dma_start3A_409 = arith.constant 0 : i32
        %dma_start3A_410 = tpu.memref_slice %arg10[%dma_start3A_402, %dma_start3A_403, %dma_start3A_409] : memref<2x5x128xi32, #tpu.memory_space<vmem>> -> memref<1x1x128xi32, #tpu.memory_space<vmem>>
        %dma_start3A_411 = tpu.memref_squeeze %dma_start3A_410 : memref<1x1x128xi32, #tpu.memory_space<vmem>> -> memref<128xi32, #tpu.memory_space<vmem>>
        %dma_start3A_412 = arith.constant 0 : i32
        %dma_start3A_413 = arith.constant 0 : i32
        %dma_start3A_414 = tpu.memref_slice %arg3[%dma_start3A_412, %dma_start3A_413] : memref<100000x32xf32, #tpu.memory_space<hbm>> -> memref<100000x32xf32, #tpu.memory_space<hbm>>
        tpu.enqueue_indirect_dma source(%dma_start3A_414 : memref<100000x32xf32, #tpu.memory_space<hbm>>) target(%dma_start3A_408 : memref<128x32xf32, #tpu.memory_space<vmem>>) offsets(%dma_start3A_411 : memref<128xi32, #tpu.memory_space<vmem>>) semaphore(%arg12 : memref<!tpu.dma_semaphore, #tpu.memory_space<semaphore_mem>>)
        %dma_start3A_415 = arith.constant 0 : i32
        %dma_start3A_416 = arith.constant 4 : i32
        %dma_start3A_417 = arith.constant 0 : i32
        %dma_start3A_418 = arith.constant 512 : i32
        %dma_start3A_419 = arith.constant 0 : i32
        %dma_start3A_420 = tpu.memref_slice %arg11[%dma_start3A_417, %dma_start3A_418, %dma_start3A_419] : memref<2x640x32xf32, #tpu.memory_space<vmem>> -> memref<1x128x32xf32, #tpu.memory_space<vmem>>
        %dma_start3A_421 = tpu.memref_squeeze %dma_start3A_420 : memref<1x128x32xf32, #tpu.memory_space<vmem>> -> memref<128x32xf32, #tpu.memory_space<vmem>>
        %dma_start3A_422 = arith.constant 0 : i32
        %dma_start3A_423 = tpu.memref_slice %arg10[%dma_start3A_415, %dma_start3A_416, %dma_start3A_422] : memref<2x5x128xi32, #tpu.memory_space<vmem>> -> memref<1x1x128xi32, #tpu.memory_space<vmem>>
        %dma_start3A_424 = tpu.memref_squeeze %dma_start3A_423 : memref<1x1x128xi32, #tpu.memory_space<vmem>> -> memref<128xi32, #tpu.memory_space<vmem>>
        %dma_start3A_425 = arith.constant 0 : i32
        %dma_start3A_426 = arith.constant 0 : i32
        %dma_start3A_427 = tpu.memref_slice %arg3[%dma_start3A_425, %dma_start3A_426] : memref<100000x32xf32, #tpu.memory_space<hbm>> -> memref<100000x32xf32, #tpu.memory_space<hbm>>
        tpu.enqueue_indirect_dma source(%dma_start3A_427 : memref<100000x32xf32, #tpu.memory_space<hbm>>) target(%dma_start3A_421 : memref<128x32xf32, #tpu.memory_space<vmem>>) offsets(%dma_start3A_424 : memref<128xi32, #tpu.memory_space<vmem>>) semaphore(%arg12 : memref<!tpu.dma_semaphore, #tpu.memory_space<semaphore_mem>>)
      } else {
      }
      %mul3A_307 = arith.constant 128 : i32
      %mul3A_308 = arith.muli %mul3A_2, %mul3A_307 : i32
      %dma_wait3A_309 = arith.constant 1 : i32
      %dma_wait3A_310 = arith.constant 0 : i32
      %dma_wait3A_311 = arith.constant 0 : i32
      %dma_wait3A_312 = tpu.memref_slice %arg11[%dma_wait3A_309, %dma_wait3A_310, %dma_wait3A_311] : memref<2x640x32xf32, #tpu.memory_space<vmem>> -> memref<1x640x32xf32, #tpu.memory_space<vmem>>
      %dma_wait3A_313 = tpu.memref_squeeze %dma_wait3A_312 : memref<1x640x32xf32, #tpu.memory_space<vmem>> -> memref<640x32xf32, #tpu.memory_space<vmem>>
      %dma_wait3A_314 = arith.constant 0 : i32
      %dma_wait3A_315 = tpu.memref_slice %arg7[%mul3A_308, %dma_wait3A_314] : memref<327680x32xf32, #tpu.memory_space<hbm>> -> memref<640x32xf32, #tpu.memory_space<hbm>>
      %dma_wait3A_316 = arith.constant 0 : i32
      %dma_wait3A_317 = arith.constant 0 : i32
      %dma_wait3A_318 = tpu.memref_slice %arg11[%dma_wait3A_309, %dma_wait3A_316, %dma_wait3A_317] : memref<2x640x32xf32, #tpu.memory_space<vmem>> -> memref<1x640x32xf32, #tpu.memory_space<vmem>>
      %dma_wait3A_319 = tpu.memref_squeeze %dma_wait3A_318 : memref<1x640x32xf32, #tpu.memory_space<vmem>> -> memref<640x32xf32, #tpu.memory_space<vmem>>
      %dma_wait3A_320 = arith.constant 0 : i32
      %dma_wait3A_321 = tpu.memref_slice %arg7[%mul3A_308, %dma_wait3A_320] : memref<327680x32xf32, #tpu.memory_space<hbm>> -> memref<640x32xf32, #tpu.memory_space<hbm>>
      tpu.wait_dma2 semaphore(%arg13 : memref<!tpu.dma_semaphore, #tpu.memory_space<semaphore_mem>>) src(%dma_wait3A_321 : memref<640x32xf32, #tpu.memory_space<hbm>>) dst(%dma_wait3A_319 : memref<640x32xf32, #tpu.memory_space<vmem>>)
      %add3A_322 = arith.constant 1 : i32
      %add3A_323 = arith.addi %mul3A_196, %add3A_322 : i32
      %mul3A_324 = arith.constant 5 : i32
      %mul3A_325 = arith.muli %add3A_323, %mul3A_324 : i32
      %add3A_326 = arith.addi %mul3A_2, %mul3A_325 : i32
      %mul3A_327 = arith.constant 128 : i32
      %mul3A_328 = arith.muli %add3A_326, %mul3A_327 : i32
      %dma_start3A_329 = arith.constant 1 : i32
      %dma_start3A_330 = arith.constant 0 : i32
      %dma_start3A_331 = arith.constant 0 : i32
      %dma_start3A_332 = tpu.memref_slice %arg11[%dma_start3A_329, %dma_start3A_330, %dma_start3A_331] : memref<2x640x32xf32, #tpu.memory_space<vmem>> -> memref<1x640x32xf32, #tpu.memory_space<vmem>>
      %dma_start3A_333 = tpu.memref_squeeze %dma_start3A_332 : memref<1x640x32xf32, #tpu.memory_space<vmem>> -> memref<640x32xf32, #tpu.memory_space<vmem>>
      %dma_start3A_334 = arith.constant 0 : i32
      %dma_start3A_335 = tpu.memref_slice %arg7[%mul3A_328, %dma_start3A_334] : memref<327680x32xf32, #tpu.memory_space<hbm>> -> memref<640x32xf32, #tpu.memory_space<hbm>>
      %dma_start3A_336 = arith.constant 0 : i32
      %dma_start3A_337 = tpu.memref_slice %arg7[%mul3A_328, %dma_start3A_336] : memref<327680x32xf32, #tpu.memory_space<hbm>> -> memref<640x32xf32, #tpu.memory_space<hbm>>
      %dma_start3A_338 = arith.constant 0 : i32
      %dma_start3A_339 = arith.constant 0 : i32
      %dma_start3A_340 = tpu.memref_slice %arg11[%dma_start3A_329, %dma_start3A_338, %dma_start3A_339] : memref<2x640x32xf32, #tpu.memory_space<vmem>> -> memref<1x640x32xf32, #tpu.memory_space<vmem>>
      %dma_start3A_341 = tpu.memref_squeeze %dma_start3A_340 : memref<1x640x32xf32, #tpu.memory_space<vmem>> -> memref<640x32xf32, #tpu.memory_space<vmem>>
      tpu.enqueue_dma source(%dma_start3A_341 : memref<640x32xf32, #tpu.memory_space<vmem>>) target(%dma_start3A_337 : memref<640x32xf32, #tpu.memory_space<hbm>>) target_semaphore(%arg15 : memref<!tpu.dma_semaphore, #tpu.memory_space<semaphore_mem>>)
    }
    %scan3A_163 = arith.constant 8 : i32
    %mul3A_164 = arith.constant 128 : i32
    %mul3A_165 = arith.muli %mul3A_2, %mul3A_164 : i32
    %dma_wait3A_166 = arith.constant 0 : i32
    %dma_wait3A_167 = arith.constant 0 : i32
    %dma_wait3A_168 = arith.constant 0 : i32
    %dma_wait3A_169 = tpu.memref_slice %arg11[%dma_wait3A_166, %dma_wait3A_167, %dma_wait3A_168] : memref<2x640x32xf32, #tpu.memory_space<vmem>> -> memref<1x640x32xf32, #tpu.memory_space<vmem>>
    %dma_wait3A_170 = tpu.memref_squeeze %dma_wait3A_169 : memref<1x640x32xf32, #tpu.memory_space<vmem>> -> memref<640x32xf32, #tpu.memory_space<vmem>>
    %dma_wait3A_171 = arith.constant 0 : i32
    %dma_wait3A_172 = tpu.memref_slice %arg7[%mul3A_165, %dma_wait3A_171] : memref<327680x32xf32, #tpu.memory_space<hbm>> -> memref<640x32xf32, #tpu.memory_space<hbm>>
    %dma_wait3A_173 = arith.constant 0 : i32
    %dma_wait3A_174 = arith.constant 0 : i32
    %dma_wait3A_175 = tpu.memref_slice %arg11[%dma_wait3A_166, %dma_wait3A_173, %dma_wait3A_174] : memref<2x640x32xf32, #tpu.memory_space<vmem>> -> memref<1x640x32xf32, #tpu.memory_space<vmem>>
    %dma_wait3A_176 = tpu.memref_squeeze %dma_wait3A_175 : memref<1x640x32xf32, #tpu.memory_space<vmem>> -> memref<640x32xf32, #tpu.memory_space<vmem>>
    %dma_wait3A_177 = arith.constant 0 : i32
    %dma_wait3A_178 = tpu.memref_slice %arg7[%mul3A_165, %dma_wait3A_177] : memref<327680x32xf32, #tpu.memory_space<hbm>> -> memref<640x32xf32, #tpu.memory_space<hbm>>
    tpu.wait_dma2 semaphore(%arg14 : memref<!tpu.dma_semaphore, #tpu.memory_space<semaphore_mem>>) src(%dma_wait3A_178 : memref<640x32xf32, #tpu.memory_space<hbm>>) dst(%dma_wait3A_176 : memref<640x32xf32, #tpu.memory_space<vmem>>)
    %mul3A_179 = arith.constant 128 : i32
    %mul3A_180 = arith.muli %mul3A_2, %mul3A_179 : i32
    %dma_wait3A_181 = arith.constant 1 : i32
    %dma_wait3A_182 = arith.constant 0 : i32
    %dma_wait3A_183 = arith.constant 0 : i32
    %dma_wait3A_184 = tpu.memref_slice %arg11[%dma_wait3A_181, %dma_wait3A_182, %dma_wait3A_183] : memref<2x640x32xf32, #tpu.memory_space<vmem>> -> memref<1x640x32xf32, #tpu.memory_space<vmem>>
    %dma_wait3A_185 = tpu.memref_squeeze %dma_wait3A_184 : memref<1x640x32xf32, #tpu.memory_space<vmem>> -> memref<640x32xf32, #tpu.memory_space<vmem>>
    %dma_wait3A_186 = arith.constant 0 : i32
    %dma_wait3A_187 = tpu.memref_slice %arg7[%mul3A_180, %dma_wait3A_186] : memref<327680x32xf32, #tpu.memory_space<hbm>> -> memref<640x32xf32, #tpu.memory_space<hbm>>
    %dma_wait3A_188 = arith.constant 0 : i32
    %dma_wait3A_189 = arith.constant 0 : i32
    %dma_wait3A_190 = tpu.memref_slice %arg11[%dma_wait3A_181, %dma_wait3A_188, %dma_wait3A_189] : memref<2x640x32xf32, #tpu.memory_space<vmem>> -> memref<1x640x32xf32, #tpu.memory_space<vmem>>
    %dma_wait3A_191 = tpu.memref_squeeze %dma_wait3A_190 : memref<1x640x32xf32, #tpu.memory_space<vmem>> -> memref<640x32xf32, #tpu.memory_space<vmem>>
    %dma_wait3A_192 = arith.constant 0 : i32
    %dma_wait3A_193 = tpu.memref_slice %arg7[%mul3A_180, %dma_wait3A_192] : memref<327680x32xf32, #tpu.memory_space<hbm>> -> memref<640x32xf32, #tpu.memory_space<hbm>>
    tpu.wait_dma2 semaphore(%arg15 : memref<!tpu.dma_semaphore, #tpu.memory_space<semaphore_mem>>) src(%dma_wait3A_193 : memref<640x32xf32, #tpu.memory_space<hbm>>) dst(%dma_wait3A_191 : memref<640x32xf32, #tpu.memory_space<vmem>>)
    return
  }
}

</mosaic_0001>

<sc_bundles>
// kernel: kernel.3.cloned.1.call-start
scs
__scs_entry_jumppad:
0x0: {  	(pc) =	sbr.rel $0x88, $3  }
0x1: {  	(tag) =	ssettag $0x0;
	lr =	simm.s32 $0x1  }
0x2: {  	[smem:$0x3F9D] =	sst lr;
	_ =	strace $0xD0000000  }
0x3: {  	_ = 	snop  }
0x4: {  	_ = 	snop  }
0x5: {  	_ = 	snop  }
0x6: {  	_ = 	snop  }
0x7: {  	_ = 	snop  }
__scs_overlays_trampoline_lowered:
0x8: {  	[smem:$0x3FAC] =	sst s0  }
0x9: {  	[smem:$0x3FAD] =	sst s1  }
0xa: {  	[smem:$0x3FAE] =	sst s2  }
0xb: {  	[smem:$0x3FAF] =	sst s3  }
0xc: {  	[smem:$0x3FB0] =	sst s4  }
0xd: {  	[smem:$0x3FB1] =	sst s5  }
0xe: {  	[smem:$0x3FB2] =	sst s6  }
0xf: {  	[smem:$0x3FB3] =	sst s7  }
0x10: {  	[smem:$0x3FB4] =	sst s8  }
0x11: {  	[smem:$0x3FB5] =	sst s9;
	s0 =	simm.s32 @!p0 $0x0  }
0x12: {  	s1 =	sld [smem:$0x3F9B];
	s0 =	simm.s32 @p0 $0x1  }
0x13: {  	[smem:$0x3FB6] =	sst s0;
	s0 =	simm.s32 @!p1 $0x0  }
0x14: {  	s2 =	sld [smem:$0x3F9A];
	s0 =	simm.s32 @p1 $0x1  }
0x15: {  	[smem:$0x3FB7] =	sst s0;
	s0 =	simm.s32 @!p2 $0x0  }
0x16: {  	s3 =	sld [smem:$0x3FDB];
	s0 =	simm.s32 @p2 $0x1  }
0x17: {  	s4 =	simm.s32 $0x1BF5;
	[smem:$0x3FB9] =	sst s0  }
0x18: {  	s0 =	sld [smem:$0x3F9C];
	_ =	swait.ge [sflag:s4], $0x0  }
0x19: {  	s7 =	sld [smem:$0x3F9D]  }
0x1a: {  	s8 =	sadd.s32 $0xFFFFE003, lr  }
0x1b: {  	s9 =	sadd.s32 $0xFFFFFEF7, lr;
	s5 =	simm.s32 $0xFFFFFFFF;
	p2 =	slt.u32 s8, $0xFFFFF086  }
0x1c: {  	p1 =	slt.u32 s9, $0xF7A;
	s5 =	simm.s32 @!p2 $0x0  }
0x1d: {  	s5 =	simm.s32 @p1 $0x1;
	p0 =	seq.s32 s7, s2  }
0x1e: {  	s7 =	smul.u32 @!p0 $0xF7A, s2;
	p2 =	seq.s32 @!p0 s5, $0x0  }
0x1f: {  	s9 =	smul.u32 $0xF7A, s1;
	s8 =	simm.s32 @!p0 $0x1BF5;
	p2 =	por !p2, p0  }
0x20: {  	[sflag:s8] =	ssyncset.s32 @!p0 $0xFFFFF086;
	s6 =	sadd.s32 @!p0 s3, s7;
	s7 =	simm.s32 @!p0 $0x108  }
0x21: {  	s3 =	sadd.s32 s3, s9;
	s6 =	sadd.s32 @!p0 $0x88, s6;
	s7 =	simm.s32 @p2 $0x1082  }
0x22: {  	[simem:s7], [sflag:s8] =	dma.local @!p0 [hbm:s6], $0xF7A  }
0x23: {  	s9 =	sor.u32 $0xD0000000, s2;
	s6 =	simm.s32 $0x108;
	_ =	swait.ge @!p0 [sflag:s8], $0x0  }
0x24: {  	s3 =	sadd.s32 $0x88, s3;
	s6 =	simm.s32 @!p1 $0x1082;
	[sflag:s4] =	ssyncset.s32 $0xFFFFF086  }
0x25: {  	[simem:s6], [sflag:s4] =	dma.local [hbm:s3], $0xF7A  }
0x26: {  	[smem:$0x3F9D] =	sst s1;
	(tag) =	ssettag s2;
	_ =	strace s9  }
0x27: {  	s1 =	sld [smem:$0x3FAD]  }
0x28: {  	s2 =	sld [smem:$0x3FAE]  }
0x29: {  	s4 =	sld [smem:$0x3FB0]  }
0x2a: {  	p0 =	seq.s32 s5, $0x0;
	s5 =	sld [smem:$0x3FB1]  }
0x2b: {  	s6 =	sld [smem:$0x3FB2]  }
0x2c: {  	s7 =	sld [smem:$0x3FB3]  }
0x2d: {  	s3 =	simm.s32 $0x108;
	s8 =	sld [smem:$0x3FB4]  }
0x2e: {  	s3 =	simm.s32 @!p0 $0x1082;
	s9 =	sld [smem:$0x3FB5]  }
0x2f: {  	lr =	sadd.s32 s0, s3;
	s0 =	sld [smem:$0x3FAC]  }
0x30: {  	s3 =	sld [smem:$0x3FAF]  }
0x31: {  	[smem:$0x3FB8] =	sst s10  }
0x32: {  	s10 =	sld [smem:$0x3FB6];
	_ =	sdelay $0x3  }
0x33: {  	p0 =	seq.s32 s10, $0x1;
	s10 =	sld [smem:$0x3FB8];
	_ =	sdelay $0x3  }
0x34: {  	[smem:$0x3FB8] =	sst s10  }
0x35: {  	s10 =	sld [smem:$0x3FB7];
	_ =	sdelay $0x3  }
0x36: {  	p1 =	seq.s32 s10, $0x1;
	s10 =	sld [smem:$0x3FB8];
	_ =	sdelay $0x3  }
0x37: {  	[smem:$0x3FB8] =	sst s10  }
0x38: {  	s10 =	sld [smem:$0x3FB9]  }
0x39: {  	_ = 	snop;
	(pc) =	sbr.ind lr, $3  }
0x3a: {  	_ = 	snop  }
0x3b: {  	_ = 	snop  }
0x3c: {  	p2 =	seq.s32 s10, $0x1;
	s10 =	sld [smem:$0x3FB8]  }
0x3d: {  	_ =	shalt  }
0x3e: {  	_ =	shalt  }
0x3f: {  	_ =	shalt  }
0x40: {  	_ =	shalt  }
0x41: {  	_ =	shalt  }
0x42: {  	_ =	shalt  }
0x43: {  	_ =	shalt  }
0x44: {  	_ =	shalt  }
0x45: {  	_ =	shalt  }
0x46: {  	_ =	shalt  }
0x47: {  	_ =	shalt  }
0x48: {  	_ =	shalt  }
0x49: {  	_ =	shalt  }
0x4a: {  	_ =	shalt  }
0x4b: {  	_ =	shalt  }
0x4c: {  	_ =	shalt  }
0x4d: {  	_ =	shalt  }
0x4e: {  	_ =	shalt  }
0x4f: {  	_ =	shalt  }
0x50: {  	_ =	shalt  }
0x51: {  	_ =	shalt  }
0x52: {  	_ =	shalt  }
0x53: {  	_ =	shalt  }
0x54: {  	_ =	shalt  }
0x55: {  	_ =	shalt  }
0x56: {  	_ =	shalt  }
0x57: {  	_ =	shalt  }
0x58: {  	_ =	shalt  }
0x59: {  	_ =	shalt  }
0x5a: {  	_ =	shalt  }
0x5b: {  	_ =	shalt  }
0x5c: {  	_ =	shalt  }
0x5d: {  	_ =	shalt  }
0x5e: {  	_ =	shalt  }
0x5f: {  	_ =	shalt  }
0x60: {  	_ =	shalt  }
0x61: {  	_ =	shalt  }
0x62: {  	_ =	shalt  }
0x63: {  	_ =	shalt  }
0x64: {  	_ =	shalt  }
0x65: {  	_ =	shalt  }
0x66: {  	_ =	shalt  }
0x67: {  	_ =	shalt  }
0x68: {  	_ =	shalt  }
0x69: {  	_ =	shalt  }
0x6a: {  	_ =	shalt  }
0x6b: {  	_ =	shalt  }
0x6c: {  	_ =	shalt  }
0x6d: {  	_ =	shalt  }
0x6e: {  	_ =	shalt  }
0x6f: {  	_ =	shalt  }
0x70: {  	_ =	shalt  }
0x71: {  	_ =	shalt  }
0x72: {  	_ =	shalt  }
0x73: {  	_ =	shalt  }
0x74: {  	_ =	shalt  }
0x75: {  	_ =	shalt  }
0x76: {  	_ =	shalt  }
0x77: {  	_ =	shalt  }
0x78: {  	_ =	shalt  }
0x79: {  	_ =	shalt  }
0x7a: {  	_ =	shalt  }
0x7b: {  	_ =	shalt  }
0x7c: {  	_ =	shalt  }
0x7d: {  	_ =	shalt  }
0x7e: {  	_ =	shalt  }
0x7f: {  	_ =	shalt  }
0x80: {  	_ =	shalt  }
0x81: {  	_ =	shalt  }
0x82: {  	_ =	shalt  }
0x83: {  	_ =	shalt  }
0x84: {  	_ =	shalt  }
0x85: {  	_ =	shalt  }
0x86: {  	_ =	shalt  }
0x87: {  	_ =	shalt  }
.Lfunc_end0:
.L_simem_size_0:
called_computation.2_lowered:
.L_overlay_start_0:
0x88: {  	s2 =	sld [smem:$0x3FD9]  }
0x89: {  	s3 =	sld [smem:$0x3FFE];
	_ =	sdelay $0x1  }
0x8a: {  	s1 =	srdreg.scid  }
0x8b: {  	s0 =	sand.u32 $0x1, s1  }
0x8c: {  	s14 =	sshll.u32 s0, $0xA;
	s2 =	sadd.s32 s3, s2  }
0x8d: {  	s2 =	sadd.s32 s2, s14  }
0x8e: {  	[smem:$0x3FC4] =	sst s2  }
0x8f: {  	_ = 	snop  }
0x90: {  	s2 =	sld [smem:$0x3FD0];
	_ =	sdelay $0x1  }
0x91: {  	s15 =	sld [smem:$0x3FC7]  }
0x92: {  	s5 =	simm.s32 $0xB;
	s6 =	simm.s32 $0x10;
	s4 =	sld [smem:$0x3FC6]  }
0x93: {  	[smem:s6], [sflag:s5] =	dma.local [hbm:s2], $0x1  }
0x94: {  	_ =	swait.eq [sflag:s5], $0x1  }
0x95: {  	[sflag:s5] =	ssyncset.done $0x0  }
0x96: {  	s16 =	sld [smem:$0x10];
	[sflag:s5] =	ssyncadd.s32 $0xFFFFFFFF  }
0x97: {  	s17 =	sld [smem:$0x11];
	(tm) =	ssettm $0x1  }
0x98: {  	s18 =	sld [smem:$0x3FFB];
	_ =	sdelay $0x3  }
0x99: {  	_ =	strace s18  }
0x9a: {  	s6 =	sld [smem:$0x3FFC];
	_ =	sdelay $0x3  }
0x9b: {  	_ =	strace s6  }
0x9c: {  	s6 =	sld [smem:$0x3FFD];
	_ =	sdelay $0x3  }
0x9d: {  	_ =	strace s6  }
0x9e: {  	_ =	strace $0x8FFFFFFF  }
0x9f: {  	s19 =	sld [smem:$0x3FDB];
	_ =	sdelay $0x1  }
0xa0: {  	s7 =	simm.s32 $_scs_section_size  }
0xa1: {  	s8 =	simm.s32 $_size__tile_overlayer_lowered;
	s9 =	simm.s32 $_tile_overlayer_lowered  }
0xa2: {  	s22 =	simm.s32 $0x1BFF;
	s21 =	sshll.u32 s9, $0x1;
	s6 =	sadd.s32 s7, s19  }
0xa3: {  	s10 =	simm.s32 $0x0;
	s20 =	sshll.u32 s8, $0x1;
	s8 =	sadd.s32 s21, s6  }
0xa4: {  	[timem:s10], [sflag:s22] =	dma.local [hbm:s8], s20  }
0xa5: {  	_ =	swait.ge [sflag:s22], s20  }
0xa6: {  	s7 =	ssub.s32 $0x0, s20;
	[sflag:s22] =	ssyncset.done $0x0  }
0xa7: {  	[sflag:s22] =	ssyncadd.s32 s7;
	_ =	sdelay $0x1  }
0xa8: {  	s23 =	simm.s32 $0x1B8B  }
0xa9: {  	_ =	swait.ge [sflag:s23], $0x1  }
0xaa: {  	[sflag:s23] =	ssyncset.done $0x0  }
0xab: {  	s25 =	simm.s32 $0x1B8E;
	s24 =	sld [smem:$0x3FFE];
	[sflag:s23] =	ssyncadd.s32 $0xFFFFFFFF  }
0xac: {  	s26 =	simm.s32 $execute0_lowered;
	[smem:$0x3FD2] =	sst s25  }
0xad: {  	s8 =	sshll.u32 s26, $0x1;
	_ =	strace $0x80000046;
	[dreg:$0x1] =	wrdreg $0xFFFFFFFF  }
0xae: {  	s28 =	simm.s32 $_size_execute0_lowered;
	s6 =	sadd.s32 s6, s8;
	[dreg:$0x0] =	wrdreg $0x0  }
0xaf: {  	s8 =	sshll.u32 s28, $0x1;
	[dreg:$0x2] =	wrdreg s6  }
0xb0: {  	[dreg:$0x3] =	wrdreg s8  }
0xb1: {  	[dreg:$0x4] =	wrdreg $0xC0  }
0xb2: {  	_ =	task [dreg:s10], $0x5FFFF  }
0xb3: {  	[dreg:$0x1] =	wrdreg $0xFFFFFFFF  }
0xb4: {  	[dreg:$0x0] =	wrdreg $0x60  }
0xb5: {  	[dreg:$0x2] =	wrdreg s24  }
0xb6: {  	[dreg:$0x3] =	wrdreg s15  }
0xb7: {  	[dreg:$0x4] =	wrdreg s4  }
0xb8: {  	[dreg:$0x5] =	wrdreg s16  }
0xb9: {  	[dreg:$0x6] =	wrdreg s17  }
0xba: {  	[dreg:$0x7] =	wrdreg $0x9  }
0xbb: {  	_ =	task.clear_ibuf [dreg:s10], $0x8FFFF;
	_ =	strace $0x90000046  }
0xbc: {  	s29 =	simm.s32 $0x9;
	_ =	strace $0x80000048  }
0xbd: {  	_ =	swait.ge [sflag:s29], $0x1  }
0xbe: {  	[sflag:s29] =	ssyncadd.s32 $0xFFFFFFFF  }
0xbf: {  	_ =	strace $0x90000048  }
0xc0: {  	_ =	sfence  }
0xc1: {  	s30 =	sld [smem:$0x0];
	_ =	sdelay $0x2  }
0xc2: {  	s31 =	sshll.u32 s1, $0xD;
	s1 =	sshrl.u32 s1, $0x2  }
0xc3: {  	s3 =	sand.u32 $0x4000, s31;
	s1 =	sadd.s32 s1, s30  }
0xc4: {  	s0 =	sor.u32 s3, s0;
	s1 =	sshll.u32 s1, $0x11  }
0xc5: {  	s0 =	sor.u32 s1, s0  }
0xc6: {  	s0 =	sadd.s32 $0x8F2B, s0  }
0xc7: {  	[sflag:s0] =	ssyncadd.remote.s32 $0x1  }
0xc8: {  	_ =	sfence.sel $0xFFFF  }
0xc9: {  	[dreg:$0x0] =	wrdreg $0xFFFFFFFF;
	(pc) =	sbr.abs _section_cstart, $3  }
0xca: {  	[dreg:$0x1] =	wrdreg $0xFFFFFFFF  }
0xcb: {  	_ =	task.clear_ibuf [dreg:s10], $0x2FFFF;
	_ =	strace $0x9FFFFFFF  }
0xcc: {  	(tm) =	ssettm $0x7FFFFFFF  }
0xcd: {  	_ =	shalt  }
tec
execute0_lowered:
.L_overlay_start_1:
0x0: {  	(tag) =	ssettag $0x1  }
0x1: {  	s0 =	rddreg [dreg:$0x0]  }
0x2: {  	s1 =	rddreg [dreg:$0x1]  }
0x3: {  	s19 =	rddreg [dreg:$0x2]  }
0x4: {  	s2 =	rddreg [dreg:$0x3]  }
0x5: {  	s21 =	rddreg [dreg:$0x4];
	s20 =	stileid.u32  }
0x6: {  	s3 =	srdreg.scid;
	s13 =	smul.u32 $0xA0, s20  }
0x7: {  	s4 =	simm.s32 $0x0;
	s3 =	sand.u32 $0x1, s3;
	s15 =	smul.u32 $0x140000, s20  }
0x8: {  	s29 =	simm.s32 $0x5;
	s30 =	simm.s32 $0x80;
	s31 =	smul.u32 $0x50, s3  }
0x9: {  	[smem:$0x7FF] =	sst s4;
	s5 =	sshll.u32 s20, $0x1;
	s17 =	smul.u32 $0xA0000, s3  }
0xa: {  	s7 =	sor.u32 s3, s5;
	s8 =	ssub.s32 $0x2, s3;
	s3 =	smul.u32 $0xA000, s3  }
0xb: {  	s6 =	sadd.s32 $0x1200, s0;
	_ =	strace $0x80000047;
	s9 =	smul.u32 $0x500, s7  }
0xc: {  	s5 =	sadd.s32 $0xF43600, s0;
	s25 =	sshrl.u32 s8, $0x1;
	s10 =	smul.u32 $0x50, s7  }
0xd: {  	s28 =	smul.u32 $0xA0000, s7;
	s0 =	ssub.s32 s8, s25;
	s18 =	sadd.s32 s17, s15  }
0xe: {  	s17 =	smul.u32 $0x14000, s20;
	s26 =	sadd.s32 s1, s9;
	s9 =	sadd.s32 s19, s9  }
0xf: {  	s11 =	sshll.u32 s10, $0x4;
	s12 =	sor.u32 $0x4, s10;
	[dreg:$0x9] =	wrdreg s26  }
0x10: {  	s8 =	sshrl.u32 s28, $0x3;
	s0 =	smax.u32 s0, $0x1;
	[dreg:$0xa] =	wrdreg s9  }
0x11: {  	s9 =	sor.u32 $0x5, s10;
	s14 =	sshll.u32 s12, $0x4;
	s22 =	sadd.s32 s2, s8  }
0x12: {  	s12 =	sshll.u32 s12, $0xA;
	s10 =	sadd.s32 $0x4C, s10;
	s8 =	sadd.s32 s31, s13  }
0x13: {  	s13 =	sor.u32 $0x10000, s18;
	s26 =	sadd.s32 s11, s1;
	[dreg:$0x10] =	wrdreg s0  }
0x14: {  	s16 =	sshll.u32 s10, $0xA;
	s12 =	sadd.s32 s2, s12;
	s24 =	sor.u32 $0xC, s8  }
0x15: {  	s13 =	sshrl.u32 s13, $0x3;
	s28 =	sadd.s32 s1, s14;
	[dreg:$0xb] =	wrdreg s22  }
0x16: {  	s31 =	sadd.s32 $0x80, s26;
	s14 =	smul.u32 $0xA000, s7;
	[dreg:$0xc] =	wrdreg s12  }
0x17: {  	s16 =	sadd.s32 s2, s16;
	s12 =	sshll.u32 s8, $0x4;
	[dreg:$0x11] =	wrdreg s28  }
0x18: {  	s13 =	sadd.s32 s13, s2;
	[dreg:$0x12] =	wrdreg s31;
	s28 =	sadd.s32 $0x12000, s22  }
0x19: {  	s22 =	simm.s32 $0x2;
	[dreg:$0xd] =	wrdreg s16;
	s23 =	sadd.s32 s1, s12  }
0x1a: {  	s16 =	sshrl.u32 s24, $0x2;
	[dreg:$0xe] =	wrdreg s13;
	s12 =	sadd.s32 s12, s19  }
0x1b: {  	s7 =	sadd.s32 s21, s14;
	s24 =	sshll.u32 s8, $0x9;
	[dreg:$0x1b] =	wrdreg s28  }
0x1c: {  	s14 =	simm.s32 $0x6400;
	s15 =	sadd.s32 $0x100, s23;
	s25 =	sshll.u32 s16, $0xC  }
0x1d: {  	s13 =	sadd.s32 $0x140, s12;
	s23 =	sshll.u32 s9, $0x9;
	[dreg:$0x15] =	wrdreg s7  }
0x1e: {  	s26 =	sadd.s32 s24, s21;
	s31 =	sadd.s32 $0x8C00, s7;
	[dreg:$0x6] =	wrdreg s15  }
0x1f: {  	s7 =	simm.s32 $0x400;
	s2 =	sadd.s32 s25, s2;
	[dreg:$0x7] =	wrdreg s13  }
0x20: {  	s15 =	sadd.s32 $0xF0, s12;
	s25 =	sor.u32 $0xF, s8;
	[dreg:$0x1c] =	wrdreg s31  }
0x21: {  	s13 =	simm.s32 $0x180;
	s8 =	simm.s32 $0x280;
	[dreg:$0xf] =	wrdreg s2  }
0x22: {  	s12 =	simm.s32 $0xA400;
	s2 =	sshll.u32 s10, $0x4;
	[dreg:$0x8] =	wrdreg s15  }
0x23: {  	s10 =	sshll.u32 s16, $0x6;
	s16 =	sshll.u32 s9, $0x4;
	[dreg:$0x18] =	wrdreg s25  }
0x24: {  	s9 =	simm.s32 $0x4400;
	s15 =	simm.s32 $0x300;
	s0 =	sadd.s32 s1, s2  }
0x25: {  	s18 =	sadd.s32 s10, s1;
	s2 =	sadd.s32 s19, s16;
	s19 =	sadd.s32 s11, s19  }
0x26: {  	s1 =	sadd.s32 s21, s23;
	s11 =	simm.s32 $0x2400;
	s10 =	simm.s32 $0x8400  }
0x27: {  	s16 =	simm.s32 $0xC400;
	s23 =	simm.s32 $0x4;
	[dreg:$0x13] =	wrdreg s0  }
0x28: {  	[dreg:$0x14] =	wrdreg s2;
	s20 =	sadd.s32 $0xA0, s19;
	s0 =	sadd.s32 s17, s21  }
0x29: {  	[dreg:$0x17] =	wrdreg s1;
	s1 =	sadd.s32 $0x1E00, s26;
	s2 =	simm.s32 $0x100  }
0x2a: {  	s17 =	simm.s32 $0x380;
	s19 =	simm.s32 $0x1;
	[dreg:$0x1d] =	wrdreg s18  }
0x2b: {  	s21 =	simm.s32 $0x3;
	[dreg:$0x16] =	wrdreg s20;
	s0 =	sadd.s32 s3, s0  }
0x2c: {  	[dreg:$0x19] =	wrdreg s1;
	s1 =	simm.s32 $0x200;
	s0 =	sadd.s32 $0x1400, s0  }
0x2d: {  	s20 =	simm.s32 $0xE400;
	s3 =	simm.s32 $0x0;
	[dreg:$0x1a] =	wrdreg s0  }
.LBB2_1:
0x2e: {  	[dreg:$0x1e] =	wrdreg s3  }
0x2f: {  	s0 =	rddreg [dreg:$0x9]  }
0x30: {  	[tilespmem:s4], [sflag:$0x5] =	stream.linear.gather [hbm4b:s0+s4], $0x200, $0x38;
	[tilespmem:$0x1A900] =	vst v63  }
0x31: {  	_ =	swait.ge [sflag:s29], $0x200  }
0x32: {  	[sflag:s29] =	ssyncset.done $0x0  }
0x33: {  	[sflag:s29] =	ssyncadd.s32 $0xFFFFFE00  }
0x34: {  	[tilespmem:s7], [sflag:$0x1] =	stream.indirect.gather [hbm4b:s5+s30], $0x40, s4, s30, $0xb8;
	[tilespmem:$0x1A900] =	vst v63  }
0x35: {  	_ = 	snop  }
0x36: {  	[tilespmem:s11], [sflag:$0x1] =	stream.indirect.gather [hbm4b:s5+s30], $0x40, s30, s30, $0xb8;
	[tilespmem:$0x1A900] =	vst v63  }
0x37: {  	_ = 	snop  }
0x38: {  	[tilespmem:s9], [sflag:$0x1] =	stream.indirect.gather [hbm4b:s5+s30], $0x40, s2, s30, $0xb8;
	[tilespmem:$0x1A900] =	vst v63  }
0x39: {  	_ = 	snop  }
0x3a: {  	[tilespmem:s14], [sflag:$0x1] =	stream.indirect.gather [hbm4b:s5+s30], $0x40, s13, s30, $0xb8;
	[tilespmem:$0x1A900] =	vst v63  }
0x3b: {  	s24 =	rddreg [dreg:$0x11]  }
0x3c: {  	[tilespmem:s1], [sflag:$0x5] =	stream.linear.gather [hbm4b:s24+s4], $0x200, $0x38;
	[tilespmem:$0x1A900] =	vst v63  }
0x3d: {  	_ =	swait.ge [sflag:s29], $0x200  }
0x3e: {  	[sflag:s29] =	ssyncset.done $0x0  }
0x3f: {  	[sflag:s29] =	ssyncadd.s32 $0xFFFFFE00  }
0x40: {  	[tilespmem:s10], [sflag:$0x2] =	stream.indirect.gather [hbm4b:s5+s30], $0x40, s1, s30, $0xb8;
	[tilespmem:$0x1A900] =	vst v63  }
0x41: {  	_ = 	snop  }
0x42: {  	[tilespmem:s12], [sflag:$0x2] =	stream.indirect.gather [hbm4b:s5+s30], $0x40, s8, s30, $0xb8;
	[tilespmem:$0x1A900] =	vst v63  }
0x43: {  	_ = 	snop  }
0x44: {  	[tilespmem:s16], [sflag:$0x2] =	stream.indirect.gather [hbm4b:s5+s30], $0x40, s15, s30, $0xb8;
	[tilespmem:$0x1A900] =	vst v63  }
0x45: {  	_ = 	snop  }
0x46: {  	[tilespmem:s20], [sflag:$0x2] =	stream.indirect.gather [hbm4b:s5+s30], $0x40, s17, s30, $0xb8;
	[tilespmem:$0x1A900] =	vst v63  }
0x47: {  	_ =	swait.ge [sflag:s19], $0x8000  }
0x48: {  	[sflag:s19] =	ssyncset.done $0x0  }
0x49: {  	s25 =	rddreg [dreg:$0xb];
	[sflag:s19] =	ssyncadd.s32 $0xFFFF8000  }
0x4a: {  	[hbm4b:s25+s4] =	stream.linear.scatter [tilespmem:s7], [sflag:$0x3], $0x8000, $0x38;
	[tilespmem:$0x1A900] =	vst v63  }
0x4b: {  	_ =	swait.ge [sflag:s21], $0x8000  }
0x4c: {  	[sflag:s21] =	ssyncset.done $0x0  }
0x4d: {  	s26 =	rddreg [dreg:$0x12];
	[sflag:s21] =	ssyncadd.s32 $0xFFFF8000  }
0x4e: {  	[tilespmem:s4], [sflag:$0x5] =	stream.linear.gather [hbm4b:s26+s4], $0x200, $0x38;
	[tilespmem:$0x1A900] =	vst v63  }
0x4f: {  	_ =	swait.ge [sflag:s29], $0x200  }
0x50: {  	[sflag:s29] =	ssyncset.done $0x0  }
0x51: {  	[sflag:s29] =	ssyncadd.s32 $0xFFFFFE00  }
0x52: {  	[tilespmem:s7], [sflag:$0x1] =	stream.indirect.gather [hbm4b:s5+s30], $0x40, s4, s30, $0xb8;
	[tilespmem:$0x1A900] =	vst v63  }
0x53: {  	_ = 	snop  }
0x54: {  	[tilespmem:s11], [sflag:$0x1] =	stream.indirect.gather [hbm4b:s5+s30], $0x40, s30, s30, $0xb8;
	[tilespmem:$0x1A900] =	vst v63  }
0x55: {  	_ = 	snop  }
0x56: {  	[tilespmem:s9], [sflag:$0x1] =	stream.indirect.gather [hbm4b:s5+s30], $0x40, s2, s30, $0xb8;
	[tilespmem:$0x1A900] =	vst v63  }
0x57: {  	_ = 	snop  }
0x58: {  	[tilespmem:s14], [sflag:$0x1] =	stream.indirect.gather [hbm4b:s5+s30], $0x40, s13, s30, $0xb8;
	[tilespmem:$0x1A900] =	vst v63  }
0x59: {  	_ =	swait.ge [sflag:s22], $0x8000  }
0x5a: {  	[sflag:s22] =	ssyncset.done $0x0  }
0x5b: {  	s3 =	rddreg [dreg:$0xc];
	[sflag:s22] =	ssyncadd.s32 $0xFFFF8000  }
0x5c: {  	[hbm4b:s3+s4] =	stream.linear.scatter [tilespmem:s10], [sflag:$0x4], $0x8000, $0x38;
	[tilespmem:$0x1A900] =	vst v63  }
0x5d: {  	_ =	swait.ge [sflag:s23], $0x8000  }
0x5e: {  	[sflag:s23] =	ssyncset.done $0x0  }
0x5f: {  	s24 =	sadd.s32 $0x0, s18;
	[sflag:s23] =	ssyncadd.s32 $0xFFFF8000  }
0x60: {  	[tilespmem:s1], [sflag:$0x5] =	stream.linear.gather [hbm4b:s24+s4], $0x200, $0x38;
	[tilespmem:$0x1A900] =	vst v63  }
0x61: {  	_ =	swait.ge [sflag:s29], $0x200  }
0x62: {  	[sflag:s29] =	ssyncset.done $0x0  }
0x63: {  	[sflag:s29] =	ssyncadd.s32 $0xFFFFFE00  }
0x64: {  	[tilespmem:s10], [sflag:$0x2] =	stream.indirect.gather [hbm4b:s5+s30], $0x40, s1, s30, $0xb8;
	[tilespmem:$0x1A900] =	vst v63  }
0x65: {  	_ = 	snop  }
0x66: {  	[tilespmem:s12], [sflag:$0x2] =	stream.indirect.gather [hbm4b:s5+s30], $0x40, s8, s30, $0xb8;
	[tilespmem:$0x1A900] =	vst v63  }
0x67: {  	_ = 	snop  }
0x68: {  	[tilespmem:s16], [sflag:$0x2] =	stream.indirect.gather [hbm4b:s5+s30], $0x40, s15, s30, $0xb8;
	[tilespmem:$0x1A900] =	vst v63  }
0x69: {  	_ = 	snop  }
0x6a: {  	[tilespmem:s20], [sflag:$0x2] =	stream.indirect.gather [hbm4b:s5+s30], $0x40, s17, s30, $0xb8;
	[tilespmem:$0x1A900] =	vst v63  }
0x6b: {  	_ =	swait.ge [sflag:s19], $0x8000  }
0x6c: {  	[sflag:s19] =	ssyncset.done $0x0  }
0x6d: {  	s25 =	rddreg [dreg:$0xe];
	[sflag:s19] =	ssyncadd.s32 $0xFFFF8000  }
0x6e: {  	[hbm4b:s25+s4] =	stream.linear.scatter [tilespmem:s7], [sflag:$0x3], $0x8000, $0x38;
	[tilespmem:$0x1A900] =	vst v63  }
0x6f: {  	_ =	swait.ge [sflag:s21], $0x8000  }
0x70: {  	s26 =	rddreg [dreg:$0x6];
	[sflag:s21] =	ssyncset.done $0x0  }
0x71: {  	[sflag:s21] =	ssyncadd.s32 $0xFFFF8000;
	s0 =	sadd.s32 $0x0, s26  }
0x72: {  	[tilespmem:s4], [sflag:$0x5] =	stream.linear.gather [hbm4b:s0+s4], $0x200, $0x38;
	[tilespmem:$0x1A900] =	vst v63  }
0x73: {  	_ =	swait.ge [sflag:s29], $0x200  }
0x74: {  	[sflag:s29] =	ssyncset.done $0x0  }
0x75: {  	s28 =	simm.s32 $0x380;
	s31 =	simm.s32 $0xC400;
	[sflag:s29] =	ssyncadd.s32 $0xFFFFFE00  }
0x76: {  	[tilespmem:s7], [sflag:$0x1] =	stream.indirect.gather [hbm4b:s5+s30], $0x40, s4, s30, $0xb8;
	[tilespmem:$0x1A900] =	vst v63  }
0x77: {  	s3 =	simm.s32 $0xE400;
	s10 =	simm.s32 $0x200;
	s8 =	simm.s32 $0x400  }
0x78: {  	[tilespmem:s11], [sflag:$0x1] =	stream.indirect.gather [hbm4b:s5+s30], $0x40, s30, s30, $0xb8;
	[tilespmem:$0x1A900] =	vst v63  }
0x79: {  	s12 =	simm.s32 $0x300;
	s16 =	simm.s32 $0x6400;
	s15 =	simm.s32 $0x180  }
0x7a: {  	[tilespmem:s9], [sflag:$0x1] =	stream.indirect.gather [hbm4b:s5+s30], $0x40, s2, s30, $0xb8;
	[tilespmem:$0x1A900] =	vst v63  }
0x7b: {  	s20 =	simm.s32 $0xA400;
	s17 =	simm.s32 $0x280;
	s26 =	simm.s32 $0x8400  }
0x7c: {  	[tilespmem:s14], [sflag:$0x1] =	stream.indirect.gather [hbm4b:s5+s30], $0x40, s13, s30, $0xb8;
	[tilespmem:$0x1A900] =	vst v63  }
0x7d: {  	s0 =	simm.s32 $0x80;
	s9 =	simm.s32 $0x100;
	_ =	swait.ge [sflag:s22], $0x8000  }
0x7e: {  	s2 =	sadd.s32 $0x2000, s25;
	[sflag:s22] =	ssyncset.done $0x0;
	s24 =	rddreg [dreg:$0xf]  }
0x7f: {  	s14 =	simm.s32 $0x4400;
	[sflag:s22] =	ssyncadd.s32 $0xFFFF8000;
	s13 =	sadd.s32 $0x2000, s24  }
.LBB2_2:
0x80: {  	[hbm4b:s24+s4] =	stream.linear.scatter [tilespmem:s26], [sflag:$0x4], $0x8000, $0x38;
	[tilespmem:$0x1A900] =	vst v63  }
0x81: {  	_ =	swait.ge [sflag:s23], $0x8000  }
0x82: {  	s25 =	smov.u32 s0;
	[sflag:s23] =	ssyncset.done $0x0  }
0x83: {  	s1 =	sadd.s32 s25, s18;
	[sflag:s23] =	ssyncadd.s32 $0xFFFF8000  }
0x84: {  	[tilespmem:s10], [sflag:$0x5] =	stream.linear.gather [hbm4b:s1+s4], $0x200, $0x38;
	[tilespmem:$0x1A900] =	vst v63  }
0x85: {  	_ =	swait.ge [sflag:s29], $0x200  }
0x86: {  	[sflag:s29] =	ssyncset.done $0x0  }
0x87: {  	[sflag:s29] =	ssyncadd.s32 $0xFFFFFE00  }
0x88: {  	[tilespmem:s26], [sflag:$0x2] =	stream.indirect.gather [hbm4b:s5+s30], $0x40, s10, s30, $0xb8;
	[tilespmem:$0x1A900] =	vst v63  }
0x89: {  	_ = 	snop  }
0x8a: {  	[tilespmem:s20], [sflag:$0x2] =	stream.indirect.gather [hbm4b:s5+s30], $0x40, s17, s30, $0xb8;
	[tilespmem:$0x1A900] =	vst v63  }
0x8b: {  	_ = 	snop  }
0x8c: {  	[tilespmem:s31], [sflag:$0x2] =	stream.indirect.gather [hbm4b:s5+s30], $0x40, s12, s30, $0xb8;
	[tilespmem:$0x1A900] =	vst v63  }
0x8d: {  	_ = 	snop  }
0x8e: {  	[tilespmem:s3], [sflag:$0x2] =	stream.indirect.gather [hbm4b:s5+s30], $0x40, s28, s30, $0xb8;
	[tilespmem:$0x1A900] =	vst v63  }
0x8f: {  	_ =	swait.ge [sflag:s19], $0x8000  }
0x90: {  	[sflag:s19] =	ssyncset.done $0x0  }
0x91: {  	[sflag:s19] =	ssyncadd.s32 $0xFFFF8000  }
0x92: {  	[hbm4b:s2+s4] =	stream.linear.scatter [tilespmem:s8], [sflag:$0x3], $0x8000, $0x38;
	[tilespmem:$0x1A900] =	vst v63  }
0x93: {  	_ =	swait.ge [sflag:s21], $0x8000  }
0x94: {  	s7 =	rddreg [dreg:$0x6];
	[sflag:s21] =	ssyncset.done $0x0  }
0x95: {  	[sflag:s21] =	ssyncadd.s32 $0xFFFF8000;
	s1 =	sadd.s32 s25, s7  }
0x96: {  	[tilespmem:s4], [sflag:$0x5] =	stream.linear.gather [hbm4b:s1+s4], $0x200, $0x38;
	[tilespmem:$0x1A900] =	vst v63  }
0x97: {  	_ =	swait.ge [sflag:s29], $0x200  }
0x98: {  	[sflag:s29] =	ssyncset.done $0x0  }
0x99: {  	[sflag:s29] =	ssyncadd.s32 $0xFFFFFE00  }
0x9a: {  	[tilespmem:s8], [sflag:$0x1] =	stream.indirect.gather [hbm4b:s5+s30], $0x40, s4, s30, $0xb8;
	[tilespmem:$0x1A900] =	vst v63  }
0x9b: {  	_ = 	snop  }
0x9c: {  	[tilespmem:s11], [sflag:$0x1] =	stream.indirect.gather [hbm4b:s5+s30], $0x40, s30, s30, $0xb8;
	[tilespmem:$0x1A900] =	vst v63  }
0x9d: {  	p0 =	sne.s32 s0, $0x380  }
0x9e: {  	[tilespmem:s14], [sflag:$0x1] =	stream.indirect.gather [hbm4b:s5+s30], $0x40, s9, s30, $0xb8;
	[tilespmem:$0x1A900] =	vst v63  }
.Ltmp0:
0x9f: {  	_ = 	snop;
	(pc) =	sbr.rel @p0 .LBB2_2-.Ltmp0, $4  }
0xa0: {  	[tilespmem:s16], [sflag:$0x1] =	stream.indirect.gather [hbm4b:s5+s30], $0x40, s15, s30, $0xb8;
	[tilespmem:$0x1A900] =	vst v63  }
0xa1: {  	_ =	swait.ge [sflag:s22], $0x8000  }
0xa2: {  	s24 =	smov.u32 s13;
	s0 =	sadd.s32 $0x80, s0;
	[sflag:s22] =	ssyncset.done $0x0  }
0xa3: {  	s13 =	sadd.s32 $0x2000, s13;
	s2 =	sadd.s32 $0x2000, s2;
	[sflag:s22] =	ssyncadd.s32 $0xFFFF8000  }
0xa4: {  	[hbm4b:s24+s4] =	stream.linear.scatter [tilespmem:s26], [sflag:$0x4], $0x8000, $0x38;
	[tilespmem:$0x1A900] =	vst v63  }
0xa5: {  	_ =	swait.ge [sflag:s23], $0x8000  }
0xa6: {  	[sflag:s23] =	ssyncset.done $0x0  }
0xa7: {  	s0 =	simm.s32 $0x0;
	s1 =	rddreg [dreg:$0x13];
	[sflag:s23] =	ssyncadd.s32 $0xFFFF8000  }
0xa8: {  	[tilespmem:s10], [sflag:$0x5] =	stream.linear.gather [hbm4b:s1+s0], $0x200, $0x38;
	[tilespmem:$0x1A900] =	vst v63  }
0xa9: {  	_ =	swait.ge [sflag:s29], $0x200  }
0xaa: {  	[sflag:s29] =	ssyncset.done $0x0  }
0xab: {  	[sflag:s29] =	ssyncadd.s32 $0xFFFFFE00  }
0xac: {  	[tilespmem:s26], [sflag:$0x2] =	stream.indirect.gather [hbm4b:s5+s30], $0x40, s10, s30, $0xb8;
	[tilespmem:$0x1A900] =	vst v63  }
0xad: {  	_ = 	snop  }
0xae: {  	[tilespmem:s20], [sflag:$0x2] =	stream.indirect.gather [hbm4b:s5+s30], $0x40, s17, s30, $0xb8;
	[tilespmem:$0x1A900] =	vst v63  }
0xaf: {  	_ = 	snop  }
0xb0: {  	[tilespmem:s31], [sflag:$0x2] =	stream.indirect.gather [hbm4b:s5+s30], $0x40, s12, s30, $0xb8;
	[tilespmem:$0x1A900] =	vst v63  }
0xb1: {  	_ = 	snop  }
0xb2: {  	[tilespmem:s3], [sflag:$0x2] =	stream.indirect.gather [hbm4b:s5+s30], $0x40, s28, s30, $0xb8;
	[tilespmem:$0x1A900] =	vst v63  }
0xb3: {  	_ =	swait.ge [sflag:s19], $0x8000  }
0xb4: {  	[sflag:s19] =	ssyncset.done $0x0  }
0xb5: {  	s9 =	rddreg [dreg:$0x1b];
	[sflag:s19] =	ssyncadd.s32 $0xFFFF8000  }
0xb6: {  	[hbm4b:s9+s0] =	stream.linear.scatter [tilespmem:s8], [sflag:$0x3], $0x8000, $0x38;
	[tilespmem:$0x1A900] =	vst v63  }
0xb7: {  	_ =	swait.ge [sflag:s22], $0x8000  }
0xb8: {  	[sflag:s22] =	ssyncset.done $0x0  }
0xb9: {  	s10 =	rddreg [dreg:$0xd];
	[sflag:s22] =	ssyncadd.s32 $0xFFFF8000  }
0xba: {  	[hbm4b:s10+s0] =	stream.linear.scatter [tilespmem:s26], [sflag:$0x4], $0x8000, $0x38;
	[tilespmem:$0x1A900] =	vst v63  }
0xbb: {  	_ =	swait.ge [sflag:s21], $0x8000  }
0xbc: {  	[sflag:s21] =	ssyncset.done $0x0  }
0xbd: {  	[sflag:s21] =	ssyncadd.s32 $0xFFFF8000  }
0xbe: {  	_ =	swait.ge [sflag:s23], $0x8000  }
0xbf: {  	[sflag:s23] =	ssyncset.done $0x0  }
0xc0: {  	s3 =	simm.s32 $0x10400;
	s11 =	rddreg [dreg:$0xa];
	[sflag:s23] =	ssyncadd.s32 $0xFFFF8000  }
0xc1: {  	[tilespmem:s3], [sflag:$0x5] =	stream.linear.gather [hbm4b:s11+s0], $0x280, $0x38;
	[tilespmem:$0x1A900] =	vst v63  }
0xc2: {  	_ =	swait.ge [sflag:s29], $0x280  }
0xc3: {  	[sflag:s29] =	ssyncset.done $0x0  }
0xc4: {  	s9 =	simm.s32 $0x10900;
	[sflag:s29] =	ssyncadd.s32 $0xFFFFFD80  }
0xc5: {  	[tilespmem:s9], [sflag:$0x1] =	stream.indirect.gather [hbm4b:s6+s30], $0x20, s3, s30, $0xb8;
	[tilespmem:$0x1A900] =	vst v63  }
0xc6: {  	s7 =	simm.s32 $0x10480;
	s10 =	simm.s32 $0x11900  }
0xc7: {  	[tilespmem:s10], [sflag:$0x1] =	stream.indirect.gather [hbm4b:s6+s30], $0x20, s7, s30, $0xb8;
	[tilespmem:$0x1A900] =	vst v63  }
0xc8: {  	s12 =	simm.s32 $0x12900;
	s26 =	simm.s32 $0x10500  }
0xc9: {  	[tilespmem:s12], [sflag:$0x1] =	stream.indirect.gather [hbm4b:s6+s30], $0x20, s26, s30, $0xb8;
	[tilespmem:$0x1A900] =	vst v63  }
0xca: {  	s13 =	simm.s32 $0x10580;
	s2 =	simm.s32 $0x13900  }
0xcb: {  	[tilespmem:s2], [sflag:$0x1] =	stream.indirect.gather [hbm4b:s6+s30], $0x20, s13, s30, $0xb8;
	[tilespmem:$0x1A900] =	vst v63  }
0xcc: {  	s14 =	simm.s32 $0x10600;
	s18 =	simm.s32 $0x14900  }
0xcd: {  	[tilespmem:s18], [sflag:$0x1] =	stream.indirect.gather [hbm4b:s6+s30], $0x20, s14, s30, $0xb8;
	[tilespmem:$0x1A900] =	vst v63  }
0xce: {  	s15 =	rddreg [dreg:$0x14];
	s12 =	simm.s32 $0x10680  }
0xcf: {  	[tilespmem:s12], [sflag:$0x5] =	stream.linear.gather [hbm4b:s15+s0], $0x280, $0x38;
	[tilespmem:$0x1A900] =	vst v63  }
0xd0: {  	_ =	swait.ge [sflag:s29], $0x280  }
0xd1: {  	[sflag:s29] =	ssyncset.done $0x0  }
0xd2: {  	s20 =	simm.s32 $0x15900;
	[sflag:s29] =	ssyncadd.s32 $0xFFFFFD80  }
0xd3: {  	[tilespmem:s20], [sflag:$0x2] =	stream.indirect.gather [hbm4b:s6+s30], $0x20, s12, s30, $0xb8;
	[tilespmem:$0x1A900] =	vst v63  }
0xd4: {  	s8 =	simm.s32 $0x16900;
	s15 =	simm.s32 $0x10700  }
0xd5: {  	[tilespmem:s8], [sflag:$0x2] =	stream.indirect.gather [hbm4b:s6+s30], $0x20, s15, s30, $0xb8;
	[tilespmem:$0x1A900] =	vst v63  }
0xd6: {  	s11 =	simm.s32 $0x10780;
	s14 =	simm.s32 $0x17900  }
0xd7: {  	[tilespmem:s14], [sflag:$0x2] =	stream.indirect.gather [hbm4b:s6+s30], $0x20, s11, s30, $0xb8;
	[tilespmem:$0x1A900] =	vst v63  }
0xd8: {  	s25 =	simm.s32 $0x18900;
	s13 =	simm.s32 $0x10800  }
0xd9: {  	[tilespmem:s25], [sflag:$0x2] =	stream.indirect.gather [hbm4b:s6+s30], $0x20, s13, s30, $0xb8;
	[tilespmem:$0x1A900] =	vst v63  }
0xda: {  	s24 =	simm.s32 $0x10880;
	s2 =	simm.s32 $0x19900  }
0xdb: {  	[tilespmem:s2], [sflag:$0x2] =	stream.indirect.gather [hbm4b:s6+s30], $0x20, s24, s30, $0xb8;
	[tilespmem:$0x1A900] =	vst v63  }
0xdc: {  	_ =	swait.ge [sflag:s19], $0x5000  }
0xdd: {  	[sflag:s19] =	ssyncset.done $0x0  }
0xde: {  	s1 =	rddreg [dreg:$0x15];
	[sflag:s19] =	ssyncadd.s32 $0xFFFFB000  }
0xdf: {  	[hbm4b:s1+s0] =	stream.linear.scatter [tilespmem:s9], [sflag:$0x3], $0x5000, $0x38;
	[tilespmem:$0x1A900] =	vst v63  }
0xe0: {  	_ =	swait.ge [sflag:s21], $0x5000  }
0xe1: {  	[sflag:s21] =	ssyncset.done $0x0  }
0xe2: {  	s1 =	rddreg [dreg:$0x16];
	[sflag:s21] =	ssyncadd.s32 $0xFFFFB000  }
0xe3: {  	[tilespmem:s3], [sflag:$0x5] =	stream.linear.gather [hbm4b:s1+s0], $0x280, $0x38;
	[tilespmem:$0x1A900] =	vst v63  }
0xe4: {  	_ =	swait.ge [sflag:s29], $0x280  }
0xe5: {  	[sflag:s29] =	ssyncset.done $0x0  }
0xe6: {  	[sflag:s29] =	ssyncadd.s32 $0xFFFFFD80  }
0xe7: {  	[tilespmem:s9], [sflag:$0x1] =	stream.indirect.gather [hbm4b:s6+s30], $0x20, s3, s30, $0xb8;
	[tilespmem:$0x1A900] =	vst v63  }
0xe8: {  	_ = 	snop  }
0xe9: {  	[tilespmem:s10], [sflag:$0x1] =	stream.indirect.gather [hbm4b:s6+s30], $0x20, s7, s30, $0xb8;
	[tilespmem:$0x1A900] =	vst v63  }
0xea: {  	s28 =	simm.s32 $0x12900  }
0xeb: {  	[tilespmem:s28], [sflag:$0x1] =	stream.indirect.gather [hbm4b:s6+s30], $0x20, s26, s30, $0xb8;
	[tilespmem:$0x1A900] =	vst v63  }
0xec: {  	s16 =	simm.s32 $0x10580;
	s31 =	simm.s32 $0x13900  }
0xed: {  	[tilespmem:s31], [sflag:$0x1] =	stream.indirect.gather [hbm4b:s6+s30], $0x20, s16, s30, $0xb8;
	[tilespmem:$0x1A900] =	vst v63  }
0xee: {  	s17 =	simm.s32 $0x10600  }
0xef: {  	[tilespmem:s18], [sflag:$0x1] =	stream.indirect.gather [hbm4b:s6+s30], $0x20, s17, s30, $0xb8;
	[tilespmem:$0x1A900] =	vst v63  }
0xf0: {  	_ =	swait.ge [sflag:s22], $0x5000  }
0xf1: {  	[sflag:s22] =	ssyncset.done $0x0  }
0xf2: {  	s16 =	rddreg [dreg:$0x17];
	[sflag:s22] =	ssyncadd.s32 $0xFFFFB000  }
0xf3: {  	[hbm4b:s16+s0] =	stream.linear.scatter [tilespmem:s20], [sflag:$0x4], $0x5000, $0x38;
	[tilespmem:$0x1A900] =	vst v63  }
0xf4: {  	_ =	swait.ge [sflag:s23], $0x5000  }
0xf5: {  	s17 =	rddreg [dreg:$0x8];
	[sflag:s23] =	ssyncset.done $0x0  }
0xf6: {  	[sflag:s23] =	ssyncadd.s32 $0xFFFFB000;
	s0 =	sadd.s32 $0x0, s17  }
0xf7: {  	[tilespmem:s12], [sflag:$0x5] =	stream.linear.gather [hbm4b:s0+s4], $0x280, $0x38;
	[tilespmem:$0x1A900] =	vst v63  }
0xf8: {  	_ =	swait.ge [sflag:s29], $0x280  }
0xf9: {  	[sflag:s29] =	ssyncset.done $0x0  }
0xfa: {  	[sflag:s29] =	ssyncadd.s32 $0xFFFFFD80  }
0xfb: {  	[tilespmem:s20], [sflag:$0x2] =	stream.indirect.gather [hbm4b:s6+s30], $0x20, s12, s30, $0xb8;
	[tilespmem:$0x1A900] =	vst v63  }
0xfc: {  	_ = 	snop  }
0xfd: {  	[tilespmem:s8], [sflag:$0x2] =	stream.indirect.gather [hbm4b:s6+s30], $0x20, s15, s30, $0xb8;
	[tilespmem:$0x1A900] =	vst v63  }
0xfe: {  	_ = 	snop  }
0xff: {  	[tilespmem:s14], [sflag:$0x2] =	stream.indirect.gather [hbm4b:s6+s30], $0x20, s11, s30, $0xb8;
	[tilespmem:$0x1A900] =	vst v63  }
0x100: {  	_ = 	snop  }
0x101: {  	[tilespmem:s25], [sflag:$0x2] =	stream.indirect.gather [hbm4b:s6+s30], $0x20, s13, s30, $0xb8;
	[tilespmem:$0x1A900] =	vst v63  }
0x102: {  	_ = 	snop  }
0x103: {  	[tilespmem:s2], [sflag:$0x2] =	stream.indirect.gather [hbm4b:s6+s30], $0x20, s24, s30, $0xb8;
	[tilespmem:$0x1A900] =	vst v63  }
0x104: {  	_ =	swait.ge [sflag:s19], $0x5000  }
0x105: {  	[sflag:s19] =	ssyncset.done $0x0  }
0x106: {  	s1 =	rddreg [dreg:$0x1a];
	[sflag:s19] =	ssyncadd.s32 $0xFFFFB000  }
0x107: {  	[hbm4b:s1+s4] =	stream.linear.scatter [tilespmem:s9], [sflag:$0x3], $0x5000, $0x38;
	[tilespmem:$0x1A900] =	vst v63  }
0x108: {  	_ =	swait.ge [sflag:s21], $0x5000  }
0x109: {  	s24 =	rddreg [dreg:$0x7];
	[sflag:s21] =	ssyncset.done $0x0  }
0x10a: {  	[sflag:s21] =	ssyncadd.s32 $0xFFFFB000;
	s0 =	sadd.s32 $0x0, s24  }
0x10b: {  	[tilespmem:s3], [sflag:$0x5] =	stream.linear.gather [hbm4b:s0+s4], $0x280, $0x38;
	[tilespmem:$0x1A900] =	vst v63  }
0x10c: {  	_ =	swait.ge [sflag:s29], $0x280  }
0x10d: {  	[sflag:s29] =	ssyncset.done $0x0  }
0x10e: {  	[sflag:s29] =	ssyncadd.s32 $0xFFFFFD80  }
0x10f: {  	[tilespmem:s9], [sflag:$0x1] =	stream.indirect.gather [hbm4b:s6+s30], $0x20, s3, s30, $0xb8;
	[tilespmem:$0x1A900] =	vst v63  }
0x110: {  	s28 =	simm.s32 $0x17900;
	s31 =	simm.s32 $0x18900  }
0x111: {  	[tilespmem:s10], [sflag:$0x1] =	stream.indirect.gather [hbm4b:s6+s30], $0x20, s7, s30, $0xb8;
	[tilespmem:$0x1A900] =	vst v63  }
0x112: {  	s16 =	simm.s32 $0x10480;
	s17 =	simm.s32 $0x11900;
	s25 =	simm.s32 $0x12900  }
0x113: {  	[tilespmem:s25], [sflag:$0x1] =	stream.indirect.gather [hbm4b:s6+s30], $0x20, s26, s30, $0xb8;
	[tilespmem:$0x1A900] =	vst v63  }
0x114: {  	s8 =	simm.s32 $0x10580;
	s11 =	simm.s32 $0x10580;
	s2 =	simm.s32 $0x13900  }
0x115: {  	[tilespmem:s2], [sflag:$0x1] =	stream.indirect.gather [hbm4b:s6+s30], $0x20, s11, s30, $0xb8;
	[tilespmem:$0x1A900] =	vst v63  }
0x116: {  	s15 =	simm.s32 $0x14900;
	s14 =	simm.s32 $0x13900;
	s13 =	simm.s32 $0x10600  }
0x117: {  	[tilespmem:s18], [sflag:$0x1] =	stream.indirect.gather [hbm4b:s6+s30], $0x20, s13, s30, $0xb8;
	[tilespmem:$0x1A900] =	vst v63  }
0x118: {  	s24 =	sadd.s32 $0x1400, s1;
	s10 =	simm.s32 $0x10500;
	_ =	swait.ge [sflag:s22], $0x5000  }
0x119: {  	s7 =	simm.s32 $0x12900;
	s26 =	simm.s32 $0x10600;
	s18 =	rddreg [dreg:$0x18]  }
0x11a: {  	s25 =	simm.s32 $0xA0;
	[sflag:s22] =	ssyncset.done $0x0;
	s2 =	rddreg [dreg:$0x19]  }
0x11b: {  	[sflag:s22] =	ssyncadd.s32 $0xFFFFB000;
	s13 =	sadd.s32 $0xA, s18;
	s0 =	sadd.s32 $0x1400, s2  }
.LBB2_4:
0x11c: {  	[hbm4b:s2+s4] =	stream.linear.scatter [tilespmem:s20], [sflag:$0x4], $0x5000, $0x38;
	[tilespmem:$0x1A900] =	vst v63  }
0x11d: {  	_ =	swait.ge [sflag:s23], $0x5000  }
0x11e: {  	s1 =	smov.u32 s25;
	s11 =	rddreg [dreg:$0x8];
	[sflag:s23] =	ssyncset.done $0x0  }
0x11f: {  	[sflag:s23] =	ssyncadd.s32 $0xFFFFB000;
	s11 =	sadd.s32 s1, s11  }
0x120: {  	[tilespmem:s12], [sflag:$0x5] =	stream.linear.gather [hbm4b:s11+s4], $0x280, $0x38;
	[tilespmem:$0x1A900] =	vst v63  }
0x121: {  	_ =	swait.ge [sflag:s29], $0x280  }
0x122: {  	[sflag:s29] =	ssyncset.done $0x0  }
0x123: {  	[sflag:s29] =	ssyncadd.s32 $0xFFFFFD80  }
0x124: {  	[tilespmem:s20], [sflag:$0x2] =	stream.indirect.gather [hbm4b:s6+s30], $0x20, s12, s30, $0xb8;
	[tilespmem:$0x1A900] =	vst v63  }
0x125: {  	s18 =	simm.s32 $0x16900;
	s11 =	simm.s32 $0x10700  }
0x126: {  	[tilespmem:s18], [sflag:$0x2] =	stream.indirect.gather [hbm4b:s6+s30], $0x20, s11, s30, $0xb8;
	[tilespmem:$0x1A900] =	vst v63  }
0x127: {  	s18 =	simm.s32 $0x10780  }
0x128: {  	[tilespmem:s28], [sflag:$0x2] =	stream.indirect.gather [hbm4b:s6+s30], $0x20, s18, s30, $0xb8;
	[tilespmem:$0x1A900] =	vst v63  }
0x129: {  	s18 =	simm.s32 $0x10800  }
0x12a: {  	[tilespmem:s31], [sflag:$0x2] =	stream.indirect.gather [hbm4b:s6+s30], $0x20, s18, s30, $0xb8;
	[tilespmem:$0x1A900] =	vst v63  }
0x12b: {  	s11 =	simm.s32 $0x10880;
	s18 =	simm.s32 $0x19900  }
0x12c: {  	[tilespmem:s18], [sflag:$0x2] =	stream.indirect.gather [hbm4b:s6+s30], $0x20, s11, s30, $0xb8;
	[tilespmem:$0x1A900] =	vst v63  }
0x12d: {  	_ =	swait.ge [sflag:s19], $0x5000  }
0x12e: {  	[sflag:s19] =	ssyncset.done $0x0  }
0x12f: {  	[sflag:s19] =	ssyncadd.s32 $0xFFFFB000  }
0x130: {  	[hbm4b:s24+s4] =	stream.linear.scatter [tilespmem:s9], [sflag:$0x3], $0x5000, $0x38;
	[tilespmem:$0x1A900] =	vst v63  }
0x131: {  	_ =	swait.ge [sflag:s21], $0x5000  }
0x132: {  	s18 =	rddreg [dreg:$0x7];
	[sflag:s21] =	ssyncset.done $0x0  }
0x133: {  	[sflag:s21] =	ssyncadd.s32 $0xFFFFB000;
	s1 =	sadd.s32 s1, s18  }
0x134: {  	[tilespmem:s3], [sflag:$0x5] =	stream.linear.gather [hbm4b:s1+s4], $0x280, $0x38;
	[tilespmem:$0x1A900] =	vst v63  }
0x135: {  	_ =	swait.ge [sflag:s29], $0x280  }
0x136: {  	[sflag:s29] =	ssyncset.done $0x0  }
0x137: {  	[sflag:s29] =	ssyncadd.s32 $0xFFFFFD80  }
0x138: {  	[tilespmem:s9], [sflag:$0x1] =	stream.indirect.gather [hbm4b:s6+s30], $0x20, s3, s30, $0xb8;
	[tilespmem:$0x1A900] =	vst v63  }
0x139: {  	_ = 	snop  }
0x13a: {  	[tilespmem:s17], [sflag:$0x1] =	stream.indirect.gather [hbm4b:s6+s30], $0x20, s16, s30, $0xb8;
	[tilespmem:$0x1A900] =	vst v63  }
0x13b: {  	_ = 	snop  }
0x13c: {  	[tilespmem:s7], [sflag:$0x1] =	stream.indirect.gather [hbm4b:s6+s30], $0x20, s10, s30, $0xb8;
	[tilespmem:$0x1A900] =	vst v63  }
0x13d: {  	p0 =	sne.s32 s25, $0x320  }
0x13e: {  	[tilespmem:s14], [sflag:$0x1] =	stream.indirect.gather [hbm4b:s6+s30], $0x20, s8, s30, $0xb8;
	[tilespmem:$0x1A900] =	vst v63  }
.Ltmp1:
0x13f: {  	_ = 	snop;
	(pc) =	sbr.rel @p0 .LBB2_4-.Ltmp1, $4  }
0x140: {  	[tilespmem:s15], [sflag:$0x1] =	stream.indirect.gather [hbm4b:s6+s30], $0x20, s26, s30, $0xb8;
	[tilespmem:$0x1A900] =	vst v63  }
0x141: {  	s2 =	smov.u32 s0;
	_ =	swait.ge [sflag:s22], $0x5000  }
0x142: {  	s25 =	sadd.s32 $0xA0, s25;
	s13 =	sadd.s32 $0xA, s13;
	[sflag:s22] =	ssyncset.done $0x0  }
0x143: {  	s0 =	sadd.s32 $0x1400, s0;
	s24 =	sadd.s32 $0x1400, s24;
	[sflag:s22] =	ssyncadd.s32 $0xFFFFB000  }
0x144: {  	[hbm4b:s2+s4] =	stream.linear.scatter [tilespmem:s20], [sflag:$0x4], $0x5000, $0x38;
	[tilespmem:$0x1A900] =	vst v63  }
0x145: {  	_ =	swait.ge [sflag:s23], $0x5000  }
0x146: {  	[sflag:s23] =	ssyncset.done $0x0  }
0x147: {  	s0 =	sshll.u32 s13, $0x4;
	[sflag:s23] =	ssyncadd.s32 $0xFFFFB000  }
0x148: {  	s0 =	sand.u32 $0x1FFFFFB0, s0;
	s1 =	rddreg [dreg:$0x2]  }
0x149: {  	s0 =	sadd.s32 s1, s0  }
0x14a: {  	[tilespmem:s12], [sflag:$0x5] =	stream.linear.gather [hbm4b:s0+s4], $0x280, $0x38;
	[tilespmem:$0x1A900] =	vst v63  }
0x14b: {  	_ =	swait.ge [sflag:s29], $0x280  }
0x14c: {  	[sflag:s29] =	ssyncset.done $0x0  }
0x14d: {  	[sflag:s29] =	ssyncadd.s32 $0xFFFFFD80  }
0x14e: {  	[tilespmem:s20], [sflag:$0x2] =	stream.indirect.gather [hbm4b:s6+s30], $0x20, s12, s30, $0xb8;
	[tilespmem:$0x1A900] =	vst v63  }
0x14f: {  	s14 =	simm.s32 $0x10700;
	s15 =	simm.s32 $0x16900  }
0x150: {  	[tilespmem:s15], [sflag:$0x2] =	stream.indirect.gather [hbm4b:s6+s30], $0x20, s14, s30, $0xb8;
	[tilespmem:$0x1A900] =	vst v63  }
0x151: {  	s16 =	simm.s32 $0x10780  }
0x152: {  	[tilespmem:s28], [sflag:$0x2] =	stream.indirect.gather [hbm4b:s6+s30], $0x20, s16, s30, $0xb8;
	[tilespmem:$0x1A900] =	vst v63  }
0x153: {  	s17 =	simm.s32 $0x10800  }
0x154: {  	[tilespmem:s31], [sflag:$0x2] =	stream.indirect.gather [hbm4b:s6+s30], $0x20, s17, s30, $0xb8;
	[tilespmem:$0x1A900] =	vst v63  }
0x155: {  	s18 =	simm.s32 $0x10880;
	s24 =	simm.s32 $0x19900  }
0x156: {  	[tilespmem:s24], [sflag:$0x2] =	stream.indirect.gather [hbm4b:s6+s30], $0x20, s18, s30, $0xb8;
	[tilespmem:$0x1A900] =	vst v63  }
0x157: {  	_ =	swait.ge [sflag:s19], $0x5000  }
0x158: {  	[sflag:s19] =	ssyncset.done $0x0  }
0x159: {  	s25 =	rddreg [dreg:$0x1c];
	[sflag:s19] =	ssyncadd.s32 $0xFFFFB000  }
0x15a: {  	[hbm4b:s25+s4] =	stream.linear.scatter [tilespmem:s9], [sflag:$0x3], $0x5000, $0x38;
	[tilespmem:$0x1A900] =	vst v63  }
0x15b: {  	_ =	swait.ge [sflag:s22], $0x5000  }
0x15c: {  	[sflag:s22] =	ssyncset.done $0x0  }
0x15d: {  	s26 =	sshll.u32 s13, $0x9;
	[sflag:s22] =	ssyncadd.s32 $0xFFFFB000  }
0x15e: {  	s0 =	sand.u32 $0x1FFFF600, s26;
	s28 =	rddreg [dreg:$0x4]  }
0x15f: {  	s0 =	sadd.s32 s28, s0  }
0x160: {  	[hbm4b:s0+s4] =	stream.linear.scatter [tilespmem:s20], [sflag:$0x4], $0x5000, $0x38;
	[tilespmem:$0x1A900] =	vst v63  }
0x161: {  	_ =	swait.ge [sflag:s21], $0x5000  }
0x162: {  	[sflag:s21] =	ssyncset.done $0x0  }
0x163: {  	[sflag:s21] =	ssyncadd.s32 $0xFFFFB000  }
0x164: {  	_ =	swait.ge [sflag:s23], $0x5000  }
0x165: {  	s3 =	rddreg [dreg:$0x1e]  }
0x166: {  	s11 =	simm.s32 $0x2400;
	s31 =	rddreg [dreg:$0x10];
	s3 =	sadd.s32 $0x1, s3  }
0x167: {  	s2 =	simm.s32 $0x100;
	s13 =	simm.s32 $0x180;
	p0 =	sne.s32 s3, s31  }
.Ltmp2:
0x168: {  	s7 =	simm.s32 $0x400;
	s8 =	simm.s32 $0x280;
	(pc) =	sbr.rel @p0 .LBB2_1-.Ltmp2, $4  }
0x169: {  	s10 =	simm.s32 $0x8400;
	s1 =	simm.s32 $0x200;
	s12 =	simm.s32 $0xA400  }
0x16a: {  	s14 =	simm.s32 $0x6400;
	s15 =	simm.s32 $0x300;
	s16 =	simm.s32 $0xC400  }
0x16b: {  	s17 =	simm.s32 $0x380;
	s9 =	simm.s32 $0x4400;
	[sflag:s23] =	ssyncset.done $0x0  }
0x16c: {  	s20 =	simm.s32 $0xE400;
	s18 =	rddreg [dreg:$0x1d];
	[sflag:s23] =	ssyncadd.s32 $0xFFFFB000  }
0x16d: {  	_ =	sfence.sel $0x180000  }
0x16e: {  	[bflag:$0x0] =	sbarrier.arrive $0xFFFF  }
0x16f: {  	_ =	strace $0x90000047  }
0x170: {  	s0 =	stileid.u32;
	[bflag:$0x2] =	sbarrier.arrive $0xFFFF  }
0x171: {  	p0 =	sne.s32 s0, $0x0;
	s0 =	rddreg [dreg:$0x5]  }
0x172: {  	s0 =	sadd.s32 @!p0 $0x100000, s0  }
0x173: {  	[sflag:s0] =	ssyncadd.tile.s32 @!p0 $0x1;
	_ =	shalt  }
.Lfunc_end2:
_tile_overlayer_lowered:
.L_overlay_start_2:
0x174: {  	(tag) =	ssettag $0x2  }
0x175: {  	s0 =	rddreg [dreg:$0x0];
	s2 =	stileid.u32  }
0x176: {  	s1 =	rddreg [dreg:$0x1];
	p0 =	sne.s32 s2, $0x0  }
0x177: {  	s3 =	rddreg [dreg:$0x2];
	[bflag:$0x3] =	sbarrier.arrive $0xFFFF;
	s2 =	simm.s32 @!p0 $0x1C05  }
0x178: {  	[timem:s3], [sflag:s2] =	dma.local @!p0 [hbm:s0], s1  }
0x179: {  	s0 =	simm.s32 @!p0 $0x5  }
0x17a: {  	_ =	swait.ge @!p0 [sflag:s0], s1  }
0x17b: {  	s1 =	ssub.s32 @!p0 $0x0, s1;
	[sflag:s0] =	ssyncset.done @!p0 $0x0  }
0x17c: {  	[sflag:s0] =	ssyncadd.s32 @!p0 s1  }
0x17d: {  	[bflag:$0x3] =	sbarrier.arrive $0xFFFF  }
0x17e: {  	_ =	shalt  }

// kernel: sparse-core-data-format-call.1.cloned.1.call-start
scs
called_computation.1_lowered:
.L_overlay_start_0:
0x0: {  	s2 =	sld [smem:$0x3FD9]  }
0x1: {  	s3 =	sld [smem:$0x3FFE];
	_ =	sdelay $0x1  }
0x2: {  	s1 =	srdreg.scid  }
0x3: {  	s0 =	sand.u32 $0x1, s1  }
0x4: {  	s16 =	sshll.u32 s0, $0xA;
	s2 =	sadd.s32 s3, s2  }
0x5: {  	s2 =	sadd.s32 s2, s16  }
0x6: {  	[smem:$0x3FC4] =	sst s2  }
0x7: {  	_ = 	snop  }
0x8: {  	s2 =	sld [smem:$0x3FD0];
	_ =	sdelay $0x2  }
0x9: {  	s17 =	simm.s32 $0xB;
	s4 =	simm.s32 $0x10  }
0xa: {  	[smem:s4], [sflag:s17] =	dma.local [hbm:s2], $0x1  }
0xb: {  	_ =	swait.eq [sflag:s17], $0x1  }
0xc: {  	[sflag:s17] =	ssyncset.done $0x0  }
0xd: {  	[sflag:s17] =	ssyncadd.s32 $0xFFFFFFFF  }
0xe: {  	s18 =	sld [smem:$0x10];
	(tm) =	ssettm $0x1  }
0xf: {  	s19 =	sld [smem:$0x3FFB];
	_ =	sdelay $0x3  }
0x10: {  	_ =	strace s19  }
0x11: {  	s2 =	sld [smem:$0x3FFC];
	_ =	sdelay $0x3  }
0x12: {  	_ =	strace s2  }
0x13: {  	s2 =	sld [smem:$0x3FFD];
	_ =	sdelay $0x3  }
0x14: {  	_ =	strace s2  }
0x15: {  	_ =	strace $0x8FFFFFFF  }
0x16: {  	s20 =	sld [smem:$0x3FDB];
	_ =	sdelay $0x1  }
0x17: {  	s21 =	simm.s32 $_scs_section_size  }
0x18: {  	s5 =	simm.s32 $_size__tile_overlayer_lowered;
	s6 =	simm.s32 $_tile_overlayer_lowered  }
0x19: {  	s7 =	simm.s32 $0x1BFF;
	s22 =	sshll.u32 s6, $0x1;
	s4 =	sadd.s32 s21, s20  }
0x1a: {  	s23 =	simm.s32 $0x0;
	s5 =	sshll.u32 s5, $0x1;
	s6 =	sadd.s32 s22, s4  }
0x1b: {  	[timem:s23], [sflag:s7] =	dma.local [hbm:s6], s5  }
0x1c: {  	_ =	swait.ge [sflag:s7], s5  }
0x1d: {  	s5 =	ssub.s32 $0x0, s5;
	[sflag:s7] =	ssyncset.done $0x0  }
0x1e: {  	[sflag:s7] =	ssyncadd.s32 s5;
	_ =	sdelay $0x1  }
0x1f: {  	s24 =	simm.s32 $0x1B8B  }
0x20: {  	_ =	swait.ge [sflag:s24], $0x1  }
0x21: {  	[sflag:s24] =	ssyncset.done $0x0  }
0x22: {  	[sflag:s24] =	ssyncadd.s32 $0xFFFFFFFF  }
0x23: {  	s5 =	sld [smem:$0x0]  }
0x24: {  	s6 =	sand.u32 $0xFFFFFFFE, s1  }
0x25: {  	p0 =	sne.s32 s1, s6  }
0x26: {  	s6 =	sshll.u32 @p0 s6, $0xE  }
0x27: {  	s6 =	sadd.s32 @p0 $0x11B8D, s6;
	s7 =	sshll.u32 @p0 s5, $0x11  }
0x28: {  	s6 =	sor.u32 @p0 s7, s6  }
0x29: {  	[sflag:s6] =	ssyncadd.remote.s32 @p0 $0x1;
	_ =	sdelay $0x1  }
0x2a: {  	s6 =	simm.s32 @p0 $0x1B8D  }
0x2b: {  	_ =	swait.eq @p0 [sflag:s6], $0x1  }
0x2c: {  	[sflag:s6] =	ssyncadd.s32 @p0 $0xFFFFFFFF  }
0x2d: {  	s7 =	sshll.u32 @!p0 s1, $0xE  }
0x2e: {  	s7 =	sor.u32 @!p0 $0x4000, s7;
	s6 =	simm.s32 @!p0 $0x1B8D  }
0x2f: {  	s5 =	sshll.u32 @!p0 s5, $0x11;
	s7 =	sadd.s32 @!p0 $0x11B8D, s7;
	_ =	swait.eq @!p0 [sflag:s6], $0x1  }
0x30: {  	s5 =	sor.u32 @!p0 s5, s7;
	[sflag:s6] =	ssyncadd.s32 @!p0 $0xFFFFFFFF  }
0x31: {  	s26 =	simm.s32 $0x1B8E;
	s25 =	sld [smem:$0x3FFE];
	[sflag:s5] =	ssyncadd.remote.s32 @!p0 $0x1  }
0x32: {  	s27 =	simm.s32 $execute0_lowered;
	[smem:$0x3FD2] =	sst s26  }
0x33: {  	s6 =	sshll.u32 s27, $0x1;
	_ =	strace $0x8000004C;
	[dreg:$0x1] =	wrdreg $0xFFFFFFFF  }
0x34: {  	s28 =	simm.s32 $_size_execute0_lowered;
	s4 =	sadd.s32 s4, s6;
	[dreg:$0x0] =	wrdreg $0x0  }
0x35: {  	s6 =	sshll.u32 s28, $0x1;
	[dreg:$0x2] =	wrdreg s4  }
0x36: {  	[dreg:$0x3] =	wrdreg s6  }
0x37: {  	[dreg:$0x4] =	wrdreg $0xC0  }
0x38: {  	_ =	task [dreg:s23], $0x5FFFF  }
0x39: {  	[dreg:$0x1] =	wrdreg $0xFFFFFFFF  }
0x3a: {  	[dreg:$0x0] =	wrdreg $0x60  }
0x3b: {  	[dreg:$0x2] =	wrdreg s25  }
0x3c: {  	[dreg:$0x3] =	wrdreg s18  }
0x3d: {  	[dreg:$0x4] =	wrdreg $0xA  }
0x3e: {  	_ =	task.clear_ibuf [dreg:s23], $0x5FFFF;
	_ =	strace $0x9000004C  }
0x3f: {  	s29 =	simm.s32 $0xA;
	_ =	strace $0x8000004E  }
0x40: {  	_ =	swait.ge [sflag:s29], $0x1  }
0x41: {  	[sflag:s29] =	ssyncadd.s32 $0xFFFFFFFF  }
0x42: {  	_ =	strace $0x9000004E  }
0x43: {  	_ =	sfence  }
0x44: {  	s30 =	sld [smem:$0x0];
	_ =	sdelay $0x2  }
0x45: {  	s31 =	sshll.u32 s1, $0xD;
	s1 =	sshrl.u32 s1, $0x2  }
0x46: {  	s4 =	sand.u32 $0x4000, s31;
	s1 =	sadd.s32 s1, s30  }
0x47: {  	s0 =	sor.u32 s4, s0;
	s1 =	sshll.u32 s1, $0x11  }
0x48: {  	s0 =	sor.u32 s1, s0  }
0x49: {  	s0 =	sadd.s32 $0x8F2B, s0  }
0x4a: {  	[sflag:s0] =	ssyncadd.remote.s32 $0x1  }
0x4b: {  	_ =	sfence.sel $0xFFFF  }
0x4c: {  	[dreg:$0x0] =	wrdreg $0xFFFFFFFF;
	(pc) =	sbr.abs _section_cstart, $3  }
0x4d: {  	[dreg:$0x1] =	wrdreg $0xFFFFFFFF  }
0x4e: {  	_ =	task.clear_ibuf [dreg:s23], $0x2FFFF;
	_ =	strace $0x9FFFFFFF  }
0x4f: {  	(tm) =	ssettm $0x7FFFFFFF  }
tec
execute0_lowered:
.L_overlay_start_1:
0x0: {  	(tag) =	ssettag $0x1  }
0x1: {  	s0 =	srdreg.scid  }
0x2: {  	s1 =	sshll.u32 s0, $0x4  }
0x3: {  	s4 =	rddreg [dreg:$0x0];
	s0 =	stileid.u32;
	s1 =	sand.u32 $0x10, s1  }
0x4: {  	s2 =	rddreg [dreg:$0x1];
	s7 =	simm.s32 $0x1;
	s1 =	sor.u32 s0, s1  }
0x5: {  	s8 =	simm.s32 $0x2;
	s11 =	simm.s32 $0x0;
	s3 =	sshll.u32 s1, $0x7  }
0x6: {  	s10 =	simm.s32 $0x0;
	s4 =	sadd.s32 $0x501200, s4;
	s6 =	ssub.s32 $0x50000, s3  }
.Ltmp0:
0x7: {  	s1 =	rddreg [dreg:$0x2];
	s5 =	sand.u32 $0xF80, s6;
	(pc) =	sbr.rel .LBB1_1-.Ltmp0, $4  }
0x8: {  	_ =	strace $0x8000004D;
	s9 =	smov.u32 s3;
	p0 =	sne.s32 s5, $0x0  }
0x9: {  	s6 =	sshrl.u32 s6, $0xC;
	s5 =	simm.s32 $0x1;
	s7 =	simm.s32 @!p0 $0x0  }
0xa: {  	[sflag:s5] =	ssyncpa.u1 $0x0;
	p0 =	por $0x0, $0x0;
	s6 =	sadd.s32 s7, s6  }
0xb: {  	[sflag:s8] =	ssyncpa.u1 $0x0;
	s8 =	simm.s32 $0x280000;
	s7 =	sadd.s32 $0x1, s6  }
.LBB1_4:
0xc: {  	s14 =	sshll.u32 s11, $0x3  }
0xd: {  	s30 =	sand.u32 $0x7F, s11;
	s15 =	sand.u32 $0xFFFFFC00, s14  }
0xe: {  	s11 =	sor.u32 s30, s15  }
0xf: {  	s15 =	smulhi.u32 $0xCCCCCCCD, s11  }
0x10: {  	s14 =	smulhi.u32 $0xCCCCCCCD, s14  }
0x11: {  	s15 =	sshrl.u32 s15, $0x12  }
0x12: {  	s14 =	sshrl.u32 s14, $0x12;
	s15 =	smul.u32 $0x50000, s15  }
0x13: {  	s14 =	sand.u32 $0x3F, s14  }
0x14: {  	s14 =	smul.u32 $0xA000, s14;
	s11 =	ssub.s32 s11, s15  }
0x15: {  	[tilespmem:s13+$0x810 ss:$0x81] =	vst.msk $0xffff, v2;
	s15 =	sand.u32 $0x7, s11  }
0x16: {  	[tilespmem:s13+$0x1020 ss:$0x81] =	vst.msk $0xffff, v0;
	s14 =	sadd.s32 s2, s14;
	s11 =	sshrl.u32 s11, $0x3;
	s15 =	sshll.u32 s15, $0x12  }
0x17: {  	[tilespmem:s13+$0x0 ss:$0x81] =	vst.msk $0xffff, v1;
	s11 =	sadd.s32 s11, s14;
	s31 =	sor.u32 $0x400, s15  }
0x18: {  	[hbm4b:s11+s31] =	stream.strided.scatter [tilespmem:s12], [sflag:$0x2], $0x2000, s8, s31, $0x20;
	[tilespmem:$0x8080] =	vst v63  }
.LBB1_5:
0x19: {  	s13 =	sadd.s32 $0x1000, s9  }
0x1a: {  	p2 =	sgt.s32 s13, $0x4FFFF  }
0x1b: {  	s13 =	smov.u32 @p2 s3;
	p2 =	sne.s32 s10, s7  }
.Ltmp1:
0x1c: {  	p1 =	slt.u32 s10, $0x2;
	(pc) =	sbr.rel @!p2 .LBB1_6-.Ltmp1, $4  }
0x1d: {  	s12 =	simm.s32 @!p1 $0x2  }
0x1e: {  	s14 =	sadd.s32 $0x1, s10;
	_ =	swait.ge @!p1 [sflag:s12], $0x2000  }
0x1f: {  	s11 =	smov.u32 s9;
	p0 =	por !p0, !p0;
	[sflag:s12] =	ssyncset.done @!p1 $0x0  }
0x20: {  	s10 =	smov.u32 s14;
	s9 =	smov.u32 s13;
	[sflag:s12] =	ssyncadd.s32 @!p1 $0xFFFFE000  }
.LBB1_1:
0x21: {  	p1 =	sge.u32 s10, s6  }
0x22: {  	s12 =	sand.u32 @!p1 $0x1FFFFFF, s9  }
0x23: {  	s13 =	smulhi.u32 @!p1 $0xCCCCCD, s12;
	_ =	sdelay $0x1  }
0x24: {  	s13 =	sshrl.u32 @!p1 s13, $0xA  }
0x25: {  	s13 =	smul.u32 @!p1 $0x50000, s13;
	_ =	sdelay $0x1  }
0x26: {  	s31 =	sadd.s32 $0xFFFFFFFF, s10;
	s14 =	sxor.u32 @!p1 $0xFFFFFFFF, s10;
	s12 =	ssub.s32 @!p1 s12, s13  }
0x27: {  	s15 =	simm.s32 @!p1 $0x80;
	s14 =	sshll.u32 @!p1 s14, $0xD;
	s12 =	sshll.u32 @!p1 s12, $0x4  }
0x28: {  	s13 =	sand.u32 @!p1 $0x2000, s14;
	s14 =	simm.s32 @!p1 $0x40;
	s12 =	sadd.s32 @!p1 s4, s12  }
0x29: {  	[tilespmem:s13], [sflag:$0x1] =	stream.strided.gather @!p1 [hbm4b:s12+s14], $0x2000, s15, s14, $0x38;
	[tilespmem:$0x8080] =	vst v63  }
0x2a: {  	p1 =	sge.u32 s31, s6  }
.Ltmp2:
0x2b: {  	_ = 	snop;
	(pc) =	sbr.rel @p1 .LBB1_5-.Ltmp2, $1  }
0x2c: {  	_ =	sdelay $0x3  }
0x2d: {  	s12 =	simm.s32 $0x1  }
0x2e: {  	_ =	swait.ge [sflag:s5], $0x2000;
	s12 =	simm.s32 @!p0 $0x0  }
0x2f: {  	[sflag:s5] =	ssyncset.done $0x0;
	s13 =	sshll.u32 s12, $0xD  }
0x30: {  	[sflag:s5] =	ssyncadd.s32 $0xFFFFE000;
	s16 =	sor.u32 $0x20, s13  }
0x31: {  	s12 =	smul.u32 $0x8100, s12;
	v3 =	vld [tilespmem:s16+$0x10]  }
0x32: {  	s30 =	sand.u32 $0x1, s10;
	v2 =	vld [tilespmem:s16+$0xFFFFFFF0]  }
0x33: {  	s13 =	smul.u32 $0x8100, s30;
	s12 =	sshrl.u32 s12, $0x2;
	v0 =	vld [tilespmem:s16+$0x0]  }
0x34: {  	v1 =	vld [tilespmem:s16+$0xFFFFFFE0];
	s14 =	sor.u32 $0x4000, s12  }
0x35: {  	s31 =	sshrl.u32 s13, $0x2;
	s13 =	sadd.s32 $0x0, s14  }
0x36: {  	s15 =	simm.s32 $0x4;
	s16 =	sadd.s32 $0x40, s16;
	s12 =	sor.u32 $0x4000, s31;
	[tilespmem:s13+$0x1830 ss:$0x81] =	vst.msk $0xffff, v3  }
.LBB1_3:
0x37: {  	v3 =	vld [tilespmem:s16+$0x10];
	p1 =	sne.s32 s15, $0x1FC;
	[tilespmem:s13+$0x810 ss:$0x81] =	vst.msk $0xffff, v2;
	s17 =	smov.u32 s15;
	s15 =	sadd.s32 $0x4, s15  }
.Ltmp3:
0x38: {  	v2 =	vld [tilespmem:s16+$0xFFFFFFF0];
	[tilespmem:s13+$0x1020 ss:$0x81] =	vst.msk $0xffff, v0;
	(pc) =	sbr.rel @p1 .LBB1_3-.Ltmp3, $4  }
0x39: {  	v0 =	vld [tilespmem:s16+$0x0];
	[tilespmem:s13+$0x0 ss:$0x81] =	vst.msk $0xffff, v1  }
0x3a: {  	s13 =	sshra.s32 s17, $0x2;
	v1 =	vld [tilespmem:s16+$0xFFFFFFE0]  }
0x3b: {  	s13 =	sadd.s32 s13, s14  }
0x3c: {  	s16 =	sadd.s32 $0x40, s16;
	[tilespmem:s13+$0x1830 ss:$0x81] =	vst.msk $0xffff, v3  }
.Ltmp4:
0x3d: {  	_ = 	snop;
	(pc) =	sbr.rel .LBB1_4-.Ltmp4, $1  }
0x3e: {  	_ =	sdelay $0x3  }
.LBB1_6:
0x3f: {  	_ =	sfence.sel $0x180000  }
0x40: {  	s2 =	simm.s32 $0x1;
	[bflag:$0x0] =	sbarrier.arrive $0xFFFF  }
0x41: {  	s31 =	simm.s32 $0x2;
	[sflag:s2] =	ssyncpa.u1 $0x1  }
0x42: {  	[sflag:s31] =	ssyncpa.u1 $0x1  }
0x43: {  	p0 =	sne.s32 s0, $0x0;
	_ =	strace $0x9000004D  }
0x44: {  	s0 =	sadd.s32 @!p0 $0x100000, s1;
	[bflag:$0x2] =	sbarrier.arrive $0xFFFF  }
0x45: {  	[sflag:s0] =	ssyncadd.tile.s32 @!p0 $0x1;
	_ =	shalt  }
.Lfunc_end1:
_tile_overlayer_lowered:
.L_overlay_start_2:
0x46: {  	(tag) =	ssettag $0x2  }
0x47: {  	s0 =	rddreg [dreg:$0x0];
	s2 =	stileid.u32  }
0x48: {  	s1 =	rddreg [dreg:$0x1];
	p0 =	sne.s32 s2, $0x0  }
0x49: {  	s3 =	rddreg [dreg:$0x2];
	[bflag:$0x3] =	sbarrier.arrive $0xFFFF;
	s2 =	simm.s32 @!p0 $0x1C01  }
0x4a: {  	[timem:s3], [sflag:s2] =	dma.local @!p0 [hbm:s0], s1  }
0x4b: {  	s0 =	simm.s32 @!p0 $0x1  }
0x4c: {  	_ =	swait.ge @!p0 [sflag:s0], s1  }
0x4d: {  	s1 =	ssub.s32 @!p0 $0x0, s1;
	[sflag:s0] =	ssyncset.done @!p0 $0x0  }
0x4e: {  	[sflag:s0] =	ssyncadd.s32 @!p0 s1  }
0x4f: {  	[bflag:$0x3] =	sbarrier.arrive $0xFFFF  }
0x50: {  	_ =	shalt  }

// kernel: sparse-core-data-format-call.cloned.1.call-start
scs
called_computation_lowered:
.L_overlay_start_0:
0x0: {  	s2 =	sld [smem:$0x3FD9]  }
0x1: {  	s3 =	sld [smem:$0x3FFE];
	_ =	sdelay $0x1  }
0x2: {  	s1 =	srdreg.scid  }
0x3: {  	s0 =	sand.u32 $0x1, s1  }
0x4: {  	s15 =	sshll.u32 s0, $0xA;
	s2 =	sadd.s32 s3, s2  }
0x5: {  	s2 =	sadd.s32 s2, s15  }
0x6: {  	[smem:$0x3FC4] =	sst s2  }
0x7: {  	_ = 	snop  }
0x8: {  	s2 =	sld [smem:$0x3FD0];
	_ =	sdelay $0x2  }
0x9: {  	s16 =	simm.s32 $0xB;
	s4 =	simm.s32 $0x10  }
0xa: {  	[smem:s4], [sflag:s16] =	dma.local [hbm:s2], $0x1  }
0xb: {  	_ =	swait.eq [sflag:s16], $0x1  }
0xc: {  	[sflag:s16] =	ssyncset.done $0x0  }
0xd: {  	[sflag:s16] =	ssyncadd.s32 $0xFFFFFFFF  }
0xe: {  	s17 =	sld [smem:$0x11];
	(tm) =	ssettm $0x1  }
0xf: {  	s18 =	sld [smem:$0x3FFB];
	_ =	sdelay $0x3  }
0x10: {  	_ =	strace s18  }
0x11: {  	s3 =	sld [smem:$0x3FFC];
	_ =	sdelay $0x3  }
0x12: {  	_ =	strace s3  }
0x13: {  	s3 =	sld [smem:$0x3FFD];
	_ =	sdelay $0x3  }
0x14: {  	_ =	strace s3  }
0x15: {  	_ =	strace $0x8FFFFFFF  }
0x16: {  	s19 =	sld [smem:$0x3FDB];
	_ =	sdelay $0x1  }
0x17: {  	s20 =	simm.s32 $_scs_section_size  }
0x18: {  	s5 =	simm.s32 $_size__tile_overlayer_lowered;
	s6 =	simm.s32 $_tile_overlayer_lowered  }
0x19: {  	s23 =	simm.s32 $0x1BFF;
	s22 =	sshll.u32 s6, $0x1;
	s3 =	sadd.s32 s20, s19  }
0x1a: {  	s7 =	simm.s32 $0x0;
	s21 =	sshll.u32 s5, $0x1;
	s5 =	sadd.s32 s22, s3  }
0x1b: {  	[timem:s7], [sflag:s23] =	dma.local [hbm:s5], s21  }
0x1c: {  	_ =	swait.ge [sflag:s23], s21  }
0x1d: {  	s4 =	ssub.s32 $0x0, s21;
	[sflag:s23] =	ssyncset.done $0x0  }
0x1e: {  	[sflag:s23] =	ssyncadd.s32 s4;
	_ =	sdelay $0x1  }
0x1f: {  	s24 =	simm.s32 $0x1B8B  }
0x20: {  	_ =	swait.ge [sflag:s24], $0x1  }
0x21: {  	[sflag:s24] =	ssyncset.done $0x0  }
0x22: {  	s26 =	simm.s32 $0x1B8E;
	s25 =	sld [smem:$0x3FFE];
	[sflag:s24] =	ssyncadd.s32 $0xFFFFFFFF  }
0x23: {  	s27 =	simm.s32 $execute0_lowered;
	[smem:$0x3FD2] =	sst s26  }
0x24: {  	s5 =	sshll.u32 s27, $0x1;
	_ =	strace $0x80000049;
	[dreg:$0x1] =	wrdreg $0xFFFFFFFF  }
0x25: {  	s28 =	simm.s32 $_size_execute0_lowered;
	s3 =	sadd.s32 s3, s5;
	[dreg:$0x0] =	wrdreg $0x0  }
0x26: {  	s5 =	sshll.u32 s28, $0x1;
	[dreg:$0x2] =	wrdreg s3  }
0x27: {  	[dreg:$0x3] =	wrdreg s5  }
0x28: {  	[dreg:$0x4] =	wrdreg $0xC0  }
0x29: {  	_ =	task [dreg:s7], $0x5FFFF  }
0x2a: {  	[dreg:$0x1] =	wrdreg $0xFFFFFFFF  }
0x2b: {  	[dreg:$0x0] =	wrdreg $0x60  }
0x2c: {  	[dreg:$0x2] =	wrdreg s25  }
0x2d: {  	[dreg:$0x3] =	wrdreg s17  }
0x2e: {  	[dreg:$0x4] =	wrdreg $0x9  }
0x2f: {  	_ =	task.clear_ibuf [dreg:s7], $0x5FFFF;
	_ =	strace $0x90000049  }
0x30: {  	s29 =	simm.s32 $0x9;
	_ =	strace $0x8000004B  }
0x31: {  	_ =	swait.ge [sflag:s29], $0x1  }
0x32: {  	[sflag:s29] =	ssyncadd.s32 $0xFFFFFFFF  }
0x33: {  	_ =	strace $0x9000004B  }
0x34: {  	_ =	sfence  }
0x35: {  	s30 =	sld [smem:$0x0];
	_ =	sdelay $0x2  }
0x36: {  	s31 =	sshll.u32 s1, $0xD;
	s1 =	sshrl.u32 s1, $0x2  }
0x37: {  	s3 =	sand.u32 $0x4000, s31;
	s1 =	sadd.s32 s1, s30  }
0x38: {  	s0 =	sor.u32 s3, s0;
	s1 =	sshll.u32 s1, $0x11  }
0x39: {  	s0 =	sor.u32 s1, s0  }
0x3a: {  	s0 =	sadd.s32 $0x8F2B, s0  }
0x3b: {  	[sflag:s0] =	ssyncadd.remote.s32 $0x1  }
0x3c: {  	_ =	sfence.sel $0xFFFF  }
0x3d: {  	[dreg:$0x0] =	wrdreg $0xFFFFFFFF;
	(pc) =	sbr.abs _section_cstart, $3  }
0x3e: {  	[dreg:$0x1] =	wrdreg $0xFFFFFFFF  }
0x3f: {  	_ =	task.clear_ibuf [dreg:s7], $0x2FFFF;
	_ =	strace $0x9FFFFFFF  }
0x40: {  	(tm) =	ssettm $0x7FFFFFFF  }
0x41: {  	_ =	shalt  }
tec
execute0_lowered:
.L_overlay_start_1:
0x0: {  	(tag) =	ssettag $0x1  }
0x1: {  	s0 =	srdreg.scid  }
0x2: {  	s1 =	sshll.u32 s0, $0x4  }
0x3: {  	s4 =	rddreg [dreg:$0x0];
	s0 =	stileid.u32;
	s1 =	sand.u32 $0x10, s1  }
0x4: {  	s2 =	rddreg [dreg:$0x1];
	s7 =	simm.s32 $0x1;
	s1 =	sor.u32 s0, s1  }
0x5: {  	s8 =	simm.s32 $0x2;
	s11 =	simm.s32 $0x0;
	s3 =	sshll.u32 s1, $0x7  }
0x6: {  	s10 =	simm.s32 $0x0;
	s4 =	sadd.s32 $0x1200, s4;
	s6 =	ssub.s32 $0x50000, s3  }
.Ltmp0:
0x7: {  	s1 =	rddreg [dreg:$0x2];
	s5 =	sand.u32 $0xF80, s6;
	(pc) =	sbr.rel .LBB1_1-.Ltmp0, $4  }
0x8: {  	_ =	strace $0x8000004A;
	s9 =	smov.u32 s3;
	p0 =	sne.s32 s5, $0x0  }
0x9: {  	s6 =	sshrl.u32 s6, $0xC;
	s5 =	simm.s32 $0x1;
	s7 =	simm.s32 @!p0 $0x0  }
0xa: {  	[sflag:s5] =	ssyncpa.u1 $0x0;
	p0 =	por $0x0, $0x0;
	s6 =	sadd.s32 s7, s6  }
0xb: {  	[sflag:s8] =	ssyncpa.u1 $0x0;
	s8 =	simm.s32 $0x280000;
	s7 =	sadd.s32 $0x1, s6  }
.LBB1_4:
0xc: {  	s14 =	sshll.u32 s11, $0x3  }
0xd: {  	s30 =	sand.u32 $0x7F, s11;
	s15 =	sand.u32 $0xFFFFFC00, s14  }
0xe: {  	s11 =	sor.u32 s30, s15  }
0xf: {  	s15 =	smulhi.u32 $0xCCCCCCCD, s11  }
0x10: {  	s14 =	smulhi.u32 $0xCCCCCCCD, s14  }
0x11: {  	s15 =	sshrl.u32 s15, $0x12  }
0x12: {  	s14 =	sshrl.u32 s14, $0x12;
	s15 =	smul.u32 $0x50000, s15  }
0x13: {  	s14 =	sand.u32 $0x1F, s14  }
0x14: {  	s14 =	smul.u32 $0xA000, s14;
	s11 =	ssub.s32 s11, s15  }
0x15: {  	s15 =	sand.u32 $0x7, s11  }
0x16: {  	s14 =	sadd.s32 s2, s14;
	s11 =	sshrl.u32 s11, $0x3;
	s15 =	sshll.u32 s15, $0x12  }
0x17: {  	[tilespmem:s13+$0x0 ss:$0x81] =	vst.msk $0xffff, v0;
	s11 =	sadd.s32 s11, s14;
	s31 =	sor.u32 $0x400, s15  }
0x18: {  	[hbm4b:s11+s31] =	stream.strided.scatter [tilespmem:s12], [sflag:$0x2], $0x1000, s8, s31, $0x20;
	[tilespmem:$0x4040] =	vst v63  }
.LBB1_5:
0x19: {  	s13 =	sadd.s32 $0x1000, s9  }
0x1a: {  	p2 =	sgt.s32 s13, $0x4FFFF  }
0x1b: {  	s13 =	smov.u32 @p2 s3;
	p2 =	sne.s32 s10, s7  }
.Ltmp1:
0x1c: {  	p1 =	slt.u32 s10, $0x2;
	(pc) =	sbr.rel @!p2 .LBB1_6-.Ltmp1, $4  }
0x1d: {  	s12 =	simm.s32 @!p1 $0x2  }
0x1e: {  	s14 =	sadd.s32 $0x1, s10;
	_ =	swait.ge @!p1 [sflag:s12], $0x1000  }
0x1f: {  	s11 =	smov.u32 s9;
	p0 =	por !p0, !p0;
	[sflag:s12] =	ssyncset.done @!p1 $0x0  }
0x20: {  	s10 =	smov.u32 s14;
	s9 =	smov.u32 s13;
	[sflag:s12] =	ssyncadd.s32 @!p1 $0xFFFFF000  }
.LBB1_1:
0x21: {  	p1 =	sge.u32 s10, s6  }
0x22: {  	s12 =	sand.u32 @!p1 $0x1FFFFFF, s9  }
0x23: {  	s13 =	smulhi.u32 @!p1 $0xCCCCCD, s12;
	_ =	sdelay $0x1  }
0x24: {  	s13 =	sshrl.u32 @!p1 s13, $0xA  }
0x25: {  	s13 =	smul.u32 @!p1 $0x50000, s13;
	_ =	sdelay $0x1  }
0x26: {  	s31 =	sadd.s32 $0xFFFFFFFF, s10;
	s14 =	sxor.u32 @!p1 $0xFFFFFFFF, s10;
	s12 =	ssub.s32 @!p1 s12, s13  }
0x27: {  	s15 =	simm.s32 @!p1 $0x80;
	s14 =	sshll.u32 @!p1 s14, $0xC;
	s12 =	sshll.u32 @!p1 s12, $0x4  }
0x28: {  	s13 =	sand.u32 @!p1 $0x1000, s14;
	s14 =	simm.s32 @!p1 $0x20;
	s12 =	sadd.s32 @!p1 s4, s12  }
0x29: {  	[tilespmem:s13], [sflag:$0x1] =	stream.strided.gather @!p1 [hbm4b:s12+s14], $0x1000, s15, s14, $0x38;
	[tilespmem:$0x4040] =	vst v63  }
0x2a: {  	p1 =	sge.u32 s31, s6  }
.Ltmp2:
0x2b: {  	_ = 	snop;
	(pc) =	sbr.rel @p1 .LBB1_5-.Ltmp2, $1  }
0x2c: {  	_ =	sdelay $0x3  }
0x2d: {  	s12 =	simm.s32 $0x1  }
0x2e: {  	_ =	swait.ge [sflag:s5], $0x1000;
	s12 =	simm.s32 @!p0 $0x0  }
0x2f: {  	[sflag:s5] =	ssyncset.done $0x0;
	s13 =	sshll.u32 s12, $0xC  }
0x30: {  	[sflag:s5] =	ssyncadd.s32 $0xFFFFF000;
	s16 =	sor.u32 $0x10, s13  }
0x31: {  	s12 =	smul.u32 $0x4080, s12;
	v1 =	vld [tilespmem:s16+$0x0]  }
0x32: {  	s30 =	sand.u32 $0x1, s10;
	v0 =	vld [tilespmem:s16+$0xFFFFFFF0]  }
0x33: {  	s13 =	smul.u32 $0x4080, s30;
	s12 =	sshrl.u32 s12, $0x2  }
0x34: {  	s14 =	sor.u32 $0x2000, s12  }
0x35: {  	s31 =	sshrl.u32 s13, $0x2;
	s13 =	sadd.s32 $0x0, s14  }
0x36: {  	s15 =	simm.s32 $0x4;
	s16 =	sadd.s32 $0x20, s16;
	s12 =	sor.u32 $0x2000, s31;
	[tilespmem:s13+$0x810 ss:$0x81] =	vst.msk $0xffff, v1  }
.LBB1_3:
0x37: {  	v1 =	vld [tilespmem:s16+$0x0];
	p1 =	sne.s32 s15, $0x1FC;
	[tilespmem:s13+$0x0 ss:$0x81] =	vst.msk $0xffff, v0;
	s13 =	smov.u32 s15;
	s15 =	sadd.s32 $0x4, s15  }
.Ltmp3:
0x38: {  	v0 =	vld [tilespmem:s16+$0xFFFFFFF0];
	(pc) =	sbr.rel @p1 .LBB1_3-.Ltmp3, $4  }
0x39: {  	_ = 	snop  }
0x3a: {  	s13 =	sshra.s32 s13, $0x2  }
0x3b: {  	s13 =	sadd.s32 s13, s14  }
0x3c: {  	s16 =	sadd.s32 $0x20, s16;
	[tilespmem:s13+$0x810 ss:$0x81] =	vst.msk $0xffff, v1  }
.Ltmp4:
0x3d: {  	_ = 	snop;
	(pc) =	sbr.rel .LBB1_4-.Ltmp4, $1  }
0x3e: {  	_ =	sdelay $0x3  }
.LBB1_6:
0x3f: {  	_ =	sfence.sel $0x180000  }
0x40: {  	s2 =	simm.s32 $0x1;
	[bflag:$0x0] =	sbarrier.arrive $0xFFFF  }
0x41: {  	s31 =	simm.s32 $0x2;
	[sflag:s2] =	ssyncpa.u1 $0x1  }
0x42: {  	[sflag:s31] =	ssyncpa.u1 $0x1  }
0x43: {  	p0 =	sne.s32 s0, $0x0;
	_ =	strace $0x9000004A  }
0x44: {  	s0 =	sadd.s32 @!p0 $0x100000, s1;
	[bflag:$0x2] =	sbarrier.arrive $0xFFFF  }
0x45: {  	[sflag:s0] =	ssyncadd.tile.s32 @!p0 $0x1;
	_ =	shalt  }
.Lfunc_end1:
_tile_overlayer_lowered:
.L_overlay_start_2:
0x46: {  	(tag) =	ssettag $0x2  }
0x47: {  	s0 =	rddreg [dreg:$0x0];
	s2 =	stileid.u32  }
0x48: {  	s1 =	rddreg [dreg:$0x1];
	p0 =	sne.s32 s2, $0x0  }
0x49: {  	s3 =	rddreg [dreg:$0x2];
	[bflag:$0x3] =	sbarrier.arrive $0xFFFF;
	s2 =	simm.s32 @!p0 $0x1C01  }
0x4a: {  	[timem:s3], [sflag:s2] =	dma.local @!p0 [hbm:s0], s1  }
0x4b: {  	s0 =	simm.s32 @!p0 $0x1  }
0x4c: {  	_ =	swait.ge @!p0 [sflag:s0], s1  }
0x4d: {  	s1 =	ssub.s32 @!p0 $0x0, s1;
	[sflag:s0] =	ssyncset.done @!p0 $0x0  }
0x4e: {  	[sflag:s0] =	ssyncadd.s32 @!p0 s1  }
0x4f: {  	[bflag:$0x3] =	sbarrier.arrive $0xFFFF  }
0x50: {  	_ =	shalt  }

</sc_bundles>
